<compile_context>
chip_gen: v7x
topology: tpu7x:2x2x1
jax: 0.10.2.dev20260603
libtpu: 0.0.44.dev20260713+nightly
codegen_flags: <defaults>
</compile_context>

<pallas_src>
import functools

import jax
import jax.numpy as jnp
from jax import lax
from jax.experimental import pallas as pl
from jax.experimental.pallas import tpu as pltpu
from jax.experimental.pallas import tpu_sc as plsc

_NUM_DRIVES = 64
_DIM = 128
_LOC_DIM = 64
_M = 100000
_K = 5
_THRESH = 0.1
_TILE = 10000
_GRID = _M // _TILE
def _topk_body(q_ref, s_ref, idx_ref, nf_ref, vals_s, idx_s):
    i = pl.program_id(0)
    neg = jnp.float32(-jnp.inf)
    _BIG = jnp.int32(2**31 - 1)

    q = q_ref[...]
    qn = q / (jnp.sqrt(jnp.sum(q * q, axis=1, keepdims=True)) + 1e-8)
    s = s_ref[...]
    nrm = jnp.sqrt(jnp.sum(s * s, axis=1, keepdims=True)) + 1e-8
    sn = (s / nrm).astype(jnp.bfloat16)
    qb = qn.astype(jnp.bfloat16)
    scores = lax.dot_general(qb, sn, (((1,), (1,)), ((), ())),
                             preferred_element_type=jnp.float32)

    bounds = (0, 4992, _TILE)
    halves = []
    for h in range(2):
        lo, hi = bounds[h], bounds[h + 1]
        cur = scores[:, lo:hi]
        col = lax.broadcasted_iota(jnp.int32, (_NUM_DRIVES, hi - lo), 1)
        tv, ti = [], []
        for _ in range(_K):
            m = jnp.max(cur, axis=1, keepdims=True)
            sel = jnp.min(jnp.where(cur == m, col, _BIG), axis=1,
                          keepdims=True)
            tv.append(m)
            ti.append(sel)
            cur = jnp.where(col == sel, neg, cur)
        off = i * _TILE + lo
        halves.append((jnp.concatenate(tv, axis=1),
                       jnp.concatenate(ti, axis=1) + off))

    @pl.when(i == 0)
    def _():
        vals_s[...] = jnp.full((_NUM_DRIVES, _K), neg, jnp.float32)
        idx_s[...] = jnp.full((_NUM_DRIVES, _K), 2**31 - 1, jnp.int32)

    cv = jnp.concatenate([vals_s[...], halves[0][0], halves[1][0]], axis=1)
    ci = jnp.concatenate([idx_s[...], halves[0][1], halves[1][1]], axis=1)
    ov, oi = [], []
    for _ in range(_K):
        m = jnp.max(cv, axis=1, keepdims=True)
        sel = jnp.min(jnp.where(cv == m, ci, _BIG), axis=1, keepdims=True)
        ov.append(m)
        oi.append(sel)
        cv = jnp.where(ci == sel, neg, cv)
    nv = jnp.concatenate(ov, axis=1)
    ni = jnp.concatenate(oi, axis=1)
    vals_s[...] = nv
    idx_s[...] = ni

    @pl.when(i == _GRID - 1)
    def _():
        idx_ref[...] = ni
        nf_ref[...] = jnp.sum((nv > _THRESH).astype(jnp.int32), axis=1,
                              keepdims=True)


def _topk(drive_emb, mem_senses):
    return pl.pallas_call(
        _topk_body,
        grid=(_GRID,),
        in_specs=[
            pl.BlockSpec((_NUM_DRIVES, _DIM), lambda i: (0, 0)),
            pl.BlockSpec((_TILE, _DIM), lambda i: (i, 0)),
        ],
        out_specs=[
            pl.BlockSpec((_NUM_DRIVES, _K), lambda i: (0, 0)),
            pl.BlockSpec((_NUM_DRIVES, 1), lambda i: (0, 0)),
        ],
        out_shape=[
            jax.ShapeDtypeStruct((_NUM_DRIVES, _K), jnp.int32),
            jax.ShapeDtypeStruct((_NUM_DRIVES, 1), jnp.int32),
        ],
        scratch_shapes=[
            pltpu.VMEM((_NUM_DRIVES, _K), jnp.float32),
            pltpu.VMEM((_NUM_DRIVES, _K), jnp.int32),
        ],
    )(drive_emb, mem_senses)


_N_ROWS = _NUM_DRIVES * _K
_N_WORKERS = 8
_ROWS_PER = _N_ROWS // _N_WORKERS


def _gather_senses(idx_flat, mem_senses):
    info = plsc.get_sparse_core_info()
    nc = info.num_cores

    mesh = plsc.VectorSubcoreMesh(core_axis_name="c", subcore_axis_name="s")

    @functools.partial(
        pl.kernel,
        mesh=mesh,
        out_type=jax.ShapeDtypeStruct((_N_ROWS, _DIM), jnp.float32),
        scratch_types=[
            pltpu.VMEM((_ROWS_PER,), jnp.int32),
            pltpu.VMEM((_ROWS_PER, _DIM), jnp.float32),
            pltpu.SemaphoreType.DMA,
        ],
    )
    def gk(idx_hbm, sen_hbm, out_sen, idx_v, sen_v, sem):
        wid = lax.axis_index("s") * nc + lax.axis_index("c")

        @pl.when(wid < _N_WORKERS)
        def _():
            base = pl.multiple_of(wid * _ROWS_PER, 8)
            pltpu.sync_copy(idx_hbm.at[pl.ds(base, _ROWS_PER)], idx_v)
            pltpu.async_copy(sen_hbm.at[idx_v], sen_v, sem).wait()
            pltpu.sync_copy(sen_v, out_sen.at[pl.ds(base, _ROWS_PER)])

    return gk(idx_flat, mem_senses)


_IPS = 16
_GSTEPS = _N_ROWS // _IPS


def _locsds_body(idx_ref, *refs):
    loc_blks = refs[:_IPS]
    sds_blks = refs[_IPS:2 * _IPS]
    out_loc, out_sds = refs[2 * _IPS], refs[2 * _IPS + 1]
    i = pl.program_id(0)
    dn = (((1,), (1,)), ((), ()))
    targets = jnp.concatenate(
        [jnp.full((1, 1), 128 * k, jnp.int32) + idx_ref[i * _IPS + k] % 128
         for k in range(_IPS)], axis=0)
    lanes = lax.broadcasted_iota(jnp.int32, (_IPS, 128 * _IPS), 1)
    e = (lanes == targets).astype(jnp.float32)
    loc_cat = jnp.concatenate([b[...] for b in loc_blks], axis=1)
    sds_cat = jnp.concatenate([b[...] for b in sds_blks], axis=1)
    out_loc[...] = lax.dot_general(e, loc_cat, dn,
                                   precision=lax.Precision.HIGHEST,
                                   preferred_element_type=jnp.float32)
    out_sds[...] = lax.dot_general(e, sds_cat, dn,
                                   precision=lax.Precision.HIGHEST,
                                   preferred_element_type=jnp.float32)


def _gather_locsds(idx_flat, loc_t, sds_t):

    def loc_map(k):
        return lambda i, idx: (0, idx[i * _IPS + k] // 128)

    grid_spec = pltpu.PrefetchScalarGridSpec(
        num_scalar_prefetch=1,
        grid=(_GSTEPS,),
        in_specs=(
            [pl.BlockSpec((_LOC_DIM, 128), loc_map(k)) for k in range(_IPS)]
            + [pl.BlockSpec((_LOC_DIM, 128), loc_map(k)) for k in range(_IPS)]
        ),
        out_specs=[
            pl.BlockSpec((_IPS, _LOC_DIM), lambda i, idx: (i, 0)),
            pl.BlockSpec((_IPS, _LOC_DIM), lambda i, idx: (i, 0)),
        ],
    )
    return pl.pallas_call(
        _locsds_body,
        grid_spec=grid_spec,
        out_shape=[
            jax.ShapeDtypeStruct((_N_ROWS, _LOC_DIM), jnp.float32),
            jax.ShapeDtypeStruct((_N_ROWS, _LOC_DIM), jnp.float32),
        ],
    )(idx_flat, *([loc_t] * _IPS), *([sds_t] * _IPS))


def kernel(drive_emb, mem_locations, mem_location_sds, mem_senses):
    idx, nf = _topk(drive_emb, mem_senses)
    idx_flat = idx.T.reshape(-1)
    sen = _gather_senses(idx_flat, mem_senses)
    loc, sds = _gather_locsds(idx_flat, mem_locations.T,
                              mem_location_sds.T)

    def _qkd(rows, d):
        return rows.reshape(_K, _NUM_DRIVES, d).transpose(1, 0, 2)[None]

    return (
        _qkd(loc, _LOC_DIM),
        _qkd(sds, _LOC_DIM),
        _qkd(sen, _DIM),
        nf.reshape(1, _NUM_DRIVES),
    )

# --- scband reference (transcript-rebuilt; emitter-appended) ---
"""Pipeline reference for scband-drive-target-proposer-32195074851241 (READ-ONLY COPY).

The authoritative reference and input builder live on the scoring server;
editing this copy changes nothing except your own understanding.
"""

import jax, jax.numpy as jnp
import numpy as np

NUM_DRIVES = 64
SENSORY_DIM = 128
LOCATION_DIM = 64
MEM_SIZE = 100000
NUM_RESULTS = 5
THRESHOLD = 0.1


def setup_inputs(seed: int = 0) -> dict:
    key = jax.random.key(seed)
    k1, k2, k3, k4 = jax.random.split(key, 4)
    drive_emb = jax.random.normal(k1, (NUM_DRIVES, SENSORY_DIM), dtype=jnp.float32)
    mem_locations = jax.random.normal(k2, (MEM_SIZE, LOCATION_DIM), dtype=jnp.float32)
    mem_location_sds = jax.random.uniform(k3, (MEM_SIZE, LOCATION_DIM), dtype=jnp.float32)
    mem_senses = jax.random.normal(k4, (MEM_SIZE, SENSORY_DIM), dtype=jnp.float32)
    return {
        "drive_emb": drive_emb,
        "mem_locations": mem_locations,
        "mem_location_sds": mem_location_sds,
        "mem_senses": mem_senses,
    }


def reference(drive_emb, mem_locations, mem_location_sds, mem_senses):
    # queries: drive embedding table with leading batch dim of 1, as in forward()
    queries = drive_emb[None, ...]  # [1, num_drives, sensory_dim]
    # cosine-similarity search against stored senses (SpatialMemory.search)
    qn = queries / (jnp.linalg.norm(queries, axis=-1, keepdims=True) + 1e-8)
    sn = mem_senses / (jnp.linalg.norm(mem_senses, axis=-1, keepdims=True) + 1e-8)
    scores = jnp.einsum("bqd,md->bqm", qn, sn)  # [1, num_drives, M]
    top_scores, top_idx = jax.lax.top_k(scores, NUM_RESULTS)  # [1, num_drives, num_results]
    found = top_scores > THRESHOLD
    num_found = jnp.sum(found.astype(jnp.int32), axis=-1)  # [1, num_drives]
    # gather memory entries; locations and senses are detached per detach_locations/detach_senses
    top_locations = jax.lax.stop_gradient(mem_locations)[top_idx]      # [1, num_drives, num_results, location_dim]
    top_location_sds = mem_location_sds[top_idx]                        # [1, num_drives, num_results, location_dim]
    top_senses = jax.lax.stop_gradient(mem_senses)[top_idx]            # [1, num_drives, num_results, sensory_dim]
    return (top_locations, top_location_sds, top_senses, num_found)

if __name__ == "__main__":
    import jax
    _d = setup_inputs()
    print(jax.jit(kernel)(*tuple(_d.values())))

</pallas_src>

<mosaic_0001>
#map = affine_map<(d0, d1) -> (0)>
#map1 = affine_map<(d0, d1) -> (0, 0)>
module attributes {stable_mosaic.version = 14 : i64} {
  func.func @gk(%arg0: i32, %arg1: i32, %arg2: memref<320xi32, #tpu.memory_space<hbm>>, %arg3: memref<100000x128xf32, #tpu.memory_space<hbm>>, %arg4: memref<320x128xf32, #tpu.memory_space<hbm>>, %arg5: memref<40xi32, #tpu.memory_space<vmem>>, %arg6: memref<40x128xf32, #tpu.memory_space<vmem>>, %arg7: memref<!tpu.dma_semaphore, #tpu.memory_space<semaphore_mem>>) attributes {dimension_semantics = [#tpu.dimension_semantics<core_parallel>, #tpu.dimension_semantics<subcore_parallel>], iteration_bounds = array<i64: 2, 16>, scalar_prefetch = 0 : i64, scratch_operands = 3 : i64, tpu.core_type = #tpu.core_type<sc_vector_subcore>, window_params = [{transform_indices = #map}, {transform_indices = #map1}, {transform_indices = #map1}]} {
    %mul3A = arith.constant 2 : i32
    %mul3A_0 = arith.muli %arg1, %mul3A : i32
    %add3A = arith.addi %mul3A_0, %arg0 : i32
    %lt3A = arith.constant 8 : i32
    %lt3A_1 = arith.cmpi slt, %add3A, %lt3A : i32
    %convert_element_type3A = arith.extui %lt3A_1 : i1 to i32
    %cond3A = arith.constant 0 : i32
    %cond3A_2 = arith.cmpi ne, %convert_element_type3A, %cond3A : i32
    scf.if %cond3A_2 {
      %mul3A_3 = arith.constant 40 : i32
      %mul3A_4 = arith.muli %add3A, %mul3A_3 : i32
      %multiple_of3A = tpu.assume_multiple %mul3A_4, 8 : i32
      "tpu.region"() ({
        %run_scoped3A = tpu.sem_alloc : memref<!tpu.dma_semaphore, #tpu.memory_space<semaphore_mem>>
        %dma_start3A_9 = tpu.memref_slice %arg2[%multiple_of3A] : memref<320xi32, #tpu.memory_space<hbm>> -> memref<40xi32, #tpu.memory_space<hbm>>
        %dma_start3A_10 = tpu.memref_slice %arg2[%multiple_of3A] : memref<320xi32, #tpu.memory_space<hbm>> -> memref<40xi32, #tpu.memory_space<hbm>>
        tpu.enqueue_dma source(%dma_start3A_10 : memref<40xi32, #tpu.memory_space<hbm>>) target(%arg5 : memref<40xi32, #tpu.memory_space<vmem>>) target_semaphore(%run_scoped3A : memref<!tpu.dma_semaphore, #tpu.memory_space<semaphore_mem>>)
        %dma_wait3A_11 = tpu.memref_slice %arg2[%multiple_of3A] : memref<320xi32, #tpu.memory_space<hbm>> -> memref<40xi32, #tpu.memory_space<hbm>>
        %dma_wait3A_12 = tpu.memref_slice %arg2[%multiple_of3A] : memref<320xi32, #tpu.memory_space<hbm>> -> memref<40xi32, #tpu.memory_space<hbm>>
        tpu.wait_dma2 semaphore(%run_scoped3A : memref<!tpu.dma_semaphore, #tpu.memory_space<semaphore_mem>>) src(%dma_wait3A_12 : memref<40xi32, #tpu.memory_space<hbm>>) dst(%arg5 : memref<40xi32, #tpu.memory_space<vmem>>)
        tpu.yield
      }) : () -> ()
      %dma_start3A = arith.constant 0 : i32
      %dma_start3A_5 = arith.constant 0 : i32
      %dma_start3A_6 = tpu.memref_slice %arg3[%dma_start3A, %dma_start3A_5] : memref<100000x128xf32, #tpu.memory_space<hbm>> -> memref<100000x128xf32, #tpu.memory_space<hbm>>
      tpu.enqueue_indirect_dma source(%dma_start3A_6 : memref<100000x128xf32, #tpu.memory_space<hbm>>) target(%arg6 : memref<40x128xf32, #tpu.memory_space<vmem>>) offsets(%arg5 : memref<40xi32, #tpu.memory_space<vmem>>) semaphore(%arg7 : memref<!tpu.dma_semaphore, #tpu.memory_space<semaphore_mem>>)
      %dma_wait3A = arith.constant 0 : i32
      %dma_wait3A_7 = arith.constant 0 : i32
      %dma_wait3A_8 = tpu.memref_slice %arg3[%dma_wait3A, %dma_wait3A_7] : memref<100000x128xf32, #tpu.memory_space<hbm>> -> memref<100000x128xf32, #tpu.memory_space<hbm>>
      tpu.wait_indirect_dma semaphore(%arg7 : memref<!tpu.dma_semaphore, #tpu.memory_space<semaphore_mem>>) src(%dma_wait3A_8 : memref<100000x128xf32, #tpu.memory_space<hbm>>) dst(%arg6 : memref<40x128xf32, #tpu.memory_space<vmem>>)
      "tpu.region"() ({
        %run_scoped3A = tpu.sem_alloc : memref<!tpu.dma_semaphore, #tpu.memory_space<semaphore_mem>>
        %dma_start3A_9 = arith.constant 0 : i32
        %dma_start3A_10 = tpu.memref_slice %arg4[%multiple_of3A, %dma_start3A_9] : memref<320x128xf32, #tpu.memory_space<hbm>> -> memref<40x128xf32, #tpu.memory_space<hbm>>
        %dma_start3A_11 = arith.constant 0 : i32
        %dma_start3A_12 = tpu.memref_slice %arg4[%multiple_of3A, %dma_start3A_11] : memref<320x128xf32, #tpu.memory_space<hbm>> -> memref<40x128xf32, #tpu.memory_space<hbm>>
        tpu.enqueue_dma source(%arg6 : memref<40x128xf32, #tpu.memory_space<vmem>>) target(%dma_start3A_12 : memref<40x128xf32, #tpu.memory_space<hbm>>) target_semaphore(%run_scoped3A : memref<!tpu.dma_semaphore, #tpu.memory_space<semaphore_mem>>)
        %dma_wait3A_13 = arith.constant 0 : i32
        %dma_wait3A_14 = tpu.memref_slice %arg4[%multiple_of3A, %dma_wait3A_13] : memref<320x128xf32, #tpu.memory_space<hbm>> -> memref<40x128xf32, #tpu.memory_space<hbm>>
        %dma_wait3A_15 = arith.constant 0 : i32
        %dma_wait3A_16 = tpu.memref_slice %arg4[%multiple_of3A, %dma_wait3A_15] : memref<320x128xf32, #tpu.memory_space<hbm>> -> memref<40x128xf32, #tpu.memory_space<hbm>>
        tpu.wait_dma2 semaphore(%run_scoped3A : memref<!tpu.dma_semaphore, #tpu.memory_space<semaphore_mem>>) src(%arg6 : memref<40x128xf32, #tpu.memory_space<vmem>>) dst(%dma_wait3A_16 : memref<40x128xf32, #tpu.memory_space<hbm>>)
        tpu.yield
      }) : () -> ()
    } else {
    }
    return
  }
}

module attributes {stable_mosaic.version = 14 : i64} {
  func.func @_topk_body(%arg0: i32, %arg1: memref<64x128xf32, #tpu.memory_space<vmem>>, %arg2: memref<10000x128xf32, #tpu.memory_space<vmem>>, %arg3: memref<64x5xi32, #tpu.memory_space<vmem>>, %arg4: memref<64x1xi32, #tpu.memory_space<vmem>>, %arg5: memref<64x5xf32, #tpu.memory_space<vmem>>, %arg6: memref<64x5xi32, #tpu.memory_space<vmem>>) attributes {dimension_semantics = [#tpu.dimension_semantics<arbitrary>], iteration_bounds = array<i64: 10>, scalar_prefetch = 0 : i64, scratch_operands = 2 : i64, tpu.core_type = #tpu.core_type<tc>, window_params = [{pipeline_mode = #tpu.pipeline_mode<synchronous>, transform_indices = @transform_0, window_bounds = array<i64: 64, 128>}, {transform_indices = @transform_1, window_bounds = array<i64: 10000, 128>}, {pipeline_mode = #tpu.pipeline_mode<synchronous>, transform_indices = @transform_2, window_bounds = array<i64: 64, 5>}, {pipeline_mode = #tpu.pipeline_mode<synchronous>, transform_indices = @transform_3, window_bounds = array<i64: 64, 1>}]} {
    %get3A = arith.constant 0 : index
    %get3A_0 = arith.constant 0 : index
    %get3A_1 = vector.load %arg1[%get3A, %get3A_0] : memref<64x128xf32, #tpu.memory_space<vmem>>, vector<64x128xf32>
    %mul3A = arith.mulf %get3A_1, %get3A_1 : vector<64x128xf32>
    %reduce_sum3A = arith.constant dense<0.000000e+00> : vector<64xf32>
    %reduce_sum3A_2 = vector.multi_reduction <add>, %mul3A, %reduce_sum3A [1] : vector<64x128xf32> to vector<64xf32>
    %broadcast_in_dim3A = vector.shape_cast %reduce_sum3A_2 : vector<64xf32> to vector<64x1xf32>
    %sqrt3A = math.sqrt %broadcast_in_dim3A : vector<64x1xf32>
    %add3A = arith.constant 9.99999993E-9 : f32
    %add3A_3 = vector.broadcast %add3A : f32 to vector<64x1xf32>
    %add3A_4 = arith.addf %sqrt3A, %add3A_3 : vector<64x1xf32>
    %div3A = vector.broadcast %add3A_4 : vector<64x1xf32> to vector<64x128xf32>
    %div3A_5 = arith.divf %get3A_1, %div3A : vector<64x128xf32>
    %get3A_6 = arith.constant 0 : index
    %get3A_7 = arith.constant 0 : index
    %get3A_8 = vector.load %arg2[%get3A_6, %get3A_7] : memref<10000x128xf32, #tpu.memory_space<vmem>>, vector<10000x128xf32>
    %mul3A_9 = arith.mulf %get3A_8, %get3A_8 : vector<10000x128xf32>
    %reduce_sum3A_10 = arith.constant dense<0.000000e+00> : vector<10000xf32>
    %reduce_sum3A_11 = vector.multi_reduction <add>, %mul3A_9, %reduce_sum3A_10 [1] : vector<10000x128xf32> to vector<10000xf32>
    %broadcast_in_dim3A_12 = vector.shape_cast %reduce_sum3A_11 : vector<10000xf32> to vector<10000x1xf32>
    %sqrt3A_13 = math.sqrt %broadcast_in_dim3A_12 : vector<10000x1xf32>
    %add3A_14 = arith.constant 9.99999993E-9 : f32
    %add3A_15 = vector.broadcast %add3A_14 : f32 to vector<10000x1xf32>
    %add3A_16 = arith.addf %sqrt3A_13, %add3A_15 : vector<10000x1xf32>
    %div3A_17 = vector.broadcast %add3A_16 : vector<10000x1xf32> to vector<10000x128xf32>
    %div3A_18 = arith.divf %get3A_8, %div3A_17 : vector<10000x128xf32>
    %convert_element_type3A = arith.truncf %div3A_18 : vector<10000x128xf32> to vector<10000x128xbf16>
    %convert_element_type3A_19 = arith.truncf %div3A_5 : vector<64x128xf32> to vector<64x128xbf16>
    %dot_general3A = arith.constant dense<0.000000e+00> : vector<64x10000xf32>
    %dot_general3A_20 = tpu.matmul %convert_element_type3A_19, %convert_element_type3A, %dot_general3A {dimension_numbers = #tpu.dot_dimension_numbers<[1], [1], [0], [0], [0, 0, 1, 0], [], []>, transpose_lhs_hint = false} : vector<64x128xbf16>, vector<10000x128xbf16>, vector<64x10000xf32> -> vector<64x10000xf32>
    %slice3A = vector.extract_strided_slice %dot_general3A_20 {offsets = [0, 0], sizes = [64, 4992], strides = [1, 1]} : vector<64x10000xf32> to vector<64x4992xf32>
    %iota3A = tpu.iota {dimensions = array<i32: 1>} : vector<64x4992xi32>
    %reduce_max3A = arith.constant dense<0xFF800000> : vector<64xf32>
    %reduce_max3A_21 = vector.multi_reduction <maximumf>, %slice3A, %reduce_max3A [1] : vector<64x4992xf32> to vector<64xf32>
    %broadcast_in_dim3A_22 = vector.shape_cast %reduce_max3A_21 : vector<64xf32> to vector<64x1xf32>
    %eq3A = vector.broadcast %broadcast_in_dim3A_22 : vector<64x1xf32> to vector<64x4992xf32>
    %eq3A_23 = arith.cmpf oeq, %slice3A, %eq3A : vector<64x4992xf32>
    %jit3A = arith.constant 2147483647 : i32
    %broadcast_in_dim3A_24 = vector.broadcast %jit3A : i32 to vector<64x4992xi32>
    %select_n3A = arith.select %eq3A_23, %iota3A, %broadcast_in_dim3A_24 : vector<64x4992xi1>, vector<64x4992xi32>
    %reduce_min3A = arith.constant dense<2147483647> : vector<64xi32>
    %reduce_min3A_25 = vector.multi_reduction <minsi>, %select_n3A, %reduce_min3A [1] : vector<64x4992xi32> to vector<64xi32>
    %broadcast_in_dim3A_26 = vector.shape_cast %reduce_min3A_25 : vector<64xi32> to vector<64x1xi32>
    %eq3A_27 = vector.broadcast %broadcast_in_dim3A_26 : vector<64x1xi32> to vector<64x4992xi32>
    %eq3A_28 = arith.cmpi eq, %iota3A, %eq3A_27 : vector<64x4992xi32>
    %jit3A_29 = arith.constant 0xFF800000 : f32
    %broadcast_in_dim3A_30 = vector.broadcast %jit3A_29 : f32 to vector<64x4992xf32>
    %select_n3A_31 = arith.select %eq3A_28, %broadcast_in_dim3A_30, %slice3A : vector<64x4992xi1>, vector<64x4992xf32>
    %reduce_max3A_32 = arith.constant dense<0xFF800000> : vector<64xf32>
    %reduce_max3A_33 = vector.multi_reduction <maximumf>, %select_n3A_31, %reduce_max3A_32 [1] : vector<64x4992xf32> to vector<64xf32>
    %broadcast_in_dim3A_34 = vector.shape_cast %reduce_max3A_33 : vector<64xf32> to vector<64x1xf32>
    %eq3A_35 = vector.broadcast %broadcast_in_dim3A_34 : vector<64x1xf32> to vector<64x4992xf32>
    %eq3A_36 = arith.cmpf oeq, %select_n3A_31, %eq3A_35 : vector<64x4992xf32>
    %jit3A_37 = arith.constant 2147483647 : i32
    %broadcast_in_dim3A_38 = vector.broadcast %jit3A_37 : i32 to vector<64x4992xi32>
    %select_n3A_39 = arith.select %eq3A_36, %iota3A, %broadcast_in_dim3A_38 : vector<64x4992xi1>, vector<64x4992xi32>
    %reduce_min3A_40 = arith.constant dense<2147483647> : vector<64xi32>
    %reduce_min3A_41 = vector.multi_reduction <minsi>, %select_n3A_39, %reduce_min3A_40 [1] : vector<64x4992xi32> to vector<64xi32>
    %broadcast_in_dim3A_42 = vector.shape_cast %reduce_min3A_41 : vector<64xi32> to vector<64x1xi32>
    %eq3A_43 = vector.broadcast %broadcast_in_dim3A_42 : vector<64x1xi32> to vector<64x4992xi32>
    %eq3A_44 = arith.cmpi eq, %iota3A, %eq3A_43 : vector<64x4992xi32>
    %jit3A_45 = arith.constant 0xFF800000 : f32
    %broadcast_in_dim3A_46 = vector.broadcast %jit3A_45 : f32 to vector<64x4992xf32>
    %select_n3A_47 = arith.select %eq3A_44, %broadcast_in_dim3A_46, %select_n3A_31 : vector<64x4992xi1>, vector<64x4992xf32>
    %reduce_max3A_48 = arith.constant dense<0xFF800000> : vector<64xf32>
    %reduce_max3A_49 = vector.multi_reduction <maximumf>, %select_n3A_47, %reduce_max3A_48 [1] : vector<64x4992xf32> to vector<64xf32>
    %broadcast_in_dim3A_50 = vector.shape_cast %reduce_max3A_49 : vector<64xf32> to vector<64x1xf32>
    %eq3A_51 = vector.broadcast %broadcast_in_dim3A_50 : vector<64x1xf32> to vector<64x4992xf32>
    %eq3A_52 = arith.cmpf oeq, %select_n3A_47, %eq3A_51 : vector<64x4992xf32>
    %jit3A_53 = arith.constant 2147483647 : i32
    %broadcast_in_dim3A_54 = vector.broadcast %jit3A_53 : i32 to vector<64x4992xi32>
    %select_n3A_55 = arith.select %eq3A_52, %iota3A, %broadcast_in_dim3A_54 : vector<64x4992xi1>, vector<64x4992xi32>
    %reduce_min3A_56 = arith.constant dense<2147483647> : vector<64xi32>
    %reduce_min3A_57 = vector.multi_reduction <minsi>, %select_n3A_55, %reduce_min3A_56 [1] : vector<64x4992xi32> to vector<64xi32>
    %broadcast_in_dim3A_58 = vector.shape_cast %reduce_min3A_57 : vector<64xi32> to vector<64x1xi32>
    %eq3A_59 = vector.broadcast %broadcast_in_dim3A_58 : vector<64x1xi32> to vector<64x4992xi32>
    %eq3A_60 = arith.cmpi eq, %iota3A, %eq3A_59 : vector<64x4992xi32>
    %jit3A_61 = arith.constant 0xFF800000 : f32
    %broadcast_in_dim3A_62 = vector.broadcast %jit3A_61 : f32 to vector<64x4992xf32>
    %select_n3A_63 = arith.select %eq3A_60, %broadcast_in_dim3A_62, %select_n3A_47 : vector<64x4992xi1>, vector<64x4992xf32>
    %reduce_max3A_64 = arith.constant dense<0xFF800000> : vector<64xf32>
    %reduce_max3A_65 = vector.multi_reduction <maximumf>, %select_n3A_63, %reduce_max3A_64 [1] : vector<64x4992xf32> to vector<64xf32>
    %broadcast_in_dim3A_66 = vector.shape_cast %reduce_max3A_65 : vector<64xf32> to vector<64x1xf32>
    %eq3A_67 = vector.broadcast %broadcast_in_dim3A_66 : vector<64x1xf32> to vector<64x4992xf32>
    %eq3A_68 = arith.cmpf oeq, %select_n3A_63, %eq3A_67 : vector<64x4992xf32>
    %jit3A_69 = arith.constant 2147483647 : i32
    %broadcast_in_dim3A_70 = vector.broadcast %jit3A_69 : i32 to vector<64x4992xi32>
    %select_n3A_71 = arith.select %eq3A_68, %iota3A, %broadcast_in_dim3A_70 : vector<64x4992xi1>, vector<64x4992xi32>
    %reduce_min3A_72 = arith.constant dense<2147483647> : vector<64xi32>
    %reduce_min3A_73 = vector.multi_reduction <minsi>, %select_n3A_71, %reduce_min3A_72 [1] : vector<64x4992xi32> to vector<64xi32>
    %broadcast_in_dim3A_74 = vector.shape_cast %reduce_min3A_73 : vector<64xi32> to vector<64x1xi32>
    %eq3A_75 = vector.broadcast %broadcast_in_dim3A_74 : vector<64x1xi32> to vector<64x4992xi32>
    %eq3A_76 = arith.cmpi eq, %iota3A, %eq3A_75 : vector<64x4992xi32>
    %jit3A_77 = arith.constant 0xFF800000 : f32
    %broadcast_in_dim3A_78 = vector.broadcast %jit3A_77 : f32 to vector<64x4992xf32>
    %select_n3A_79 = arith.select %eq3A_76, %broadcast_in_dim3A_78, %select_n3A_63 : vector<64x4992xi1>, vector<64x4992xf32>
    %reduce_max3A_80 = arith.constant dense<0xFF800000> : vector<64xf32>
    %reduce_max3A_81 = vector.multi_reduction <maximumf>, %select_n3A_79, %reduce_max3A_80 [1] : vector<64x4992xf32> to vector<64xf32>
    %broadcast_in_dim3A_82 = vector.shape_cast %reduce_max3A_81 : vector<64xf32> to vector<64x1xf32>
    %eq3A_83 = vector.broadcast %broadcast_in_dim3A_82 : vector<64x1xf32> to vector<64x4992xf32>
    %eq3A_84 = arith.cmpf oeq, %select_n3A_79, %eq3A_83 : vector<64x4992xf32>
    %jit3A_85 = arith.constant 2147483647 : i32
    %broadcast_in_dim3A_86 = vector.broadcast %jit3A_85 : i32 to vector<64x4992xi32>
    %select_n3A_87 = arith.select %eq3A_84, %iota3A, %broadcast_in_dim3A_86 : vector<64x4992xi1>, vector<64x4992xi32>
    %reduce_min3A_88 = arith.constant dense<2147483647> : vector<64xi32>
    %reduce_min3A_89 = vector.multi_reduction <minsi>, %select_n3A_87, %reduce_min3A_88 [1] : vector<64x4992xi32> to vector<64xi32>
    %broadcast_in_dim3A_90 = vector.shape_cast %reduce_min3A_89 : vector<64xi32> to vector<64x1xi32>
    %mul3A_91 = arith.constant 10000 : i32
    %mul3A_92 = arith.muli %arg0, %mul3A_91 : i32
    %add3A_93 = arith.constant 0 : i32
    %add3A_94 = arith.addi %mul3A_92, %add3A_93 : i32
    %concatenate3A = tpu.concatenate %broadcast_in_dim3A_22, %broadcast_in_dim3A_34, %broadcast_in_dim3A_50, %broadcast_in_dim3A_66, %broadcast_in_dim3A_82 in 1 : vector<64x1xf32>, vector<64x1xf32>, vector<64x1xf32>, vector<64x1xf32>, vector<64x1xf32> -> vector<64x5xf32>
    %concatenate3A_95 = tpu.concatenate %broadcast_in_dim3A_26, %broadcast_in_dim3A_42, %broadcast_in_dim3A_58, %broadcast_in_dim3A_74, %broadcast_in_dim3A_90 in 1 : vector<64x1xi32>, vector<64x1xi32>, vector<64x1xi32>, vector<64x1xi32>, vector<64x1xi32> -> vector<64x5xi32>
    %add3A_96 = vector.broadcast %add3A_94 : i32 to vector<64x5xi32>
    %add3A_97 = arith.addi %concatenate3A_95, %add3A_96 : vector<64x5xi32>
    %slice3A_98 = vector.extract_strided_slice %dot_general3A_20 {offsets = [0, 4992], sizes = [64, 5008], strides = [1, 1]} : vector<64x10000xf32> to vector<64x5008xf32>
    %iota3A_99 = tpu.iota {dimensions = array<i32: 1>} : vector<64x5008xi32>
    %reduce_max3A_100 = arith.constant dense<0xFF800000> : vector<64xf32>
    %reduce_max3A_101 = vector.multi_reduction <maximumf>, %slice3A_98, %reduce_max3A_100 [1] : vector<64x5008xf32> to vector<64xf32>
    %broadcast_in_dim3A_102 = vector.shape_cast %reduce_max3A_101 : vector<64xf32> to vector<64x1xf32>
    %eq3A_103 = vector.broadcast %broadcast_in_dim3A_102 : vector<64x1xf32> to vector<64x5008xf32>
    %eq3A_104 = arith.cmpf oeq, %slice3A_98, %eq3A_103 : vector<64x5008xf32>
    %jit3A_105 = arith.constant 2147483647 : i32
    %broadcast_in_dim3A_106 = vector.broadcast %jit3A_105 : i32 to vector<64x5008xi32>
    %select_n3A_107 = arith.select %eq3A_104, %iota3A_99, %broadcast_in_dim3A_106 : vector<64x5008xi1>, vector<64x5008xi32>
    %reduce_min3A_108 = arith.constant dense<2147483647> : vector<64xi32>
    %reduce_min3A_109 = vector.multi_reduction <minsi>, %select_n3A_107, %reduce_min3A_108 [1] : vector<64x5008xi32> to vector<64xi32>
    %broadcast_in_dim3A_110 = vector.shape_cast %reduce_min3A_109 : vector<64xi32> to vector<64x1xi32>
    %eq3A_111 = vector.broadcast %broadcast_in_dim3A_110 : vector<64x1xi32> to vector<64x5008xi32>
    %eq3A_112 = arith.cmpi eq, %iota3A_99, %eq3A_111 : vector<64x5008xi32>
    %jit3A_113 = arith.constant 0xFF800000 : f32
    %broadcast_in_dim3A_114 = vector.broadcast %jit3A_113 : f32 to vector<64x5008xf32>
    %select_n3A_115 = arith.select %eq3A_112, %broadcast_in_dim3A_114, %slice3A_98 : vector<64x5008xi1>, vector<64x5008xf32>
    %reduce_max3A_116 = arith.constant dense<0xFF800000> : vector<64xf32>
    %reduce_max3A_117 = vector.multi_reduction <maximumf>, %select_n3A_115, %reduce_max3A_116 [1] : vector<64x5008xf32> to vector<64xf32>
    %broadcast_in_dim3A_118 = vector.shape_cast %reduce_max3A_117 : vector<64xf32> to vector<64x1xf32>
    %eq3A_119 = vector.broadcast %broadcast_in_dim3A_118 : vector<64x1xf32> to vector<64x5008xf32>
    %eq3A_120 = arith.cmpf oeq, %select_n3A_115, %eq3A_119 : vector<64x5008xf32>
    %jit3A_121 = arith.constant 2147483647 : i32
    %broadcast_in_dim3A_122 = vector.broadcast %jit3A_121 : i32 to vector<64x5008xi32>
    %select_n3A_123 = arith.select %eq3A_120, %iota3A_99, %broadcast_in_dim3A_122 : vector<64x5008xi1>, vector<64x5008xi32>
    %reduce_min3A_124 = arith.constant dense<2147483647> : vector<64xi32>
    %reduce_min3A_125 = vector.multi_reduction <minsi>, %select_n3A_123, %reduce_min3A_124 [1] : vector<64x5008xi32> to vector<64xi32>
    %broadcast_in_dim3A_126 = vector.shape_cast %reduce_min3A_125 : vector<64xi32> to vector<64x1xi32>
    %eq3A_127 = vector.broadcast %broadcast_in_dim3A_126 : vector<64x1xi32> to vector<64x5008xi32>
    %eq3A_128 = arith.cmpi eq, %iota3A_99, %eq3A_127 : vector<64x5008xi32>
    %jit3A_129 = arith.constant 0xFF800000 : f32
    %broadcast_in_dim3A_130 = vector.broadcast %jit3A_129 : f32 to vector<64x5008xf32>
    %select_n3A_131 = arith.select %eq3A_128, %broadcast_in_dim3A_130, %select_n3A_115 : vector<64x5008xi1>, vector<64x5008xf32>
    %reduce_max3A_132 = arith.constant dense<0xFF800000> : vector<64xf32>
    %reduce_max3A_133 = vector.multi_reduction <maximumf>, %select_n3A_131, %reduce_max3A_132 [1] : vector<64x5008xf32> to vector<64xf32>
    %broadcast_in_dim3A_134 = vector.shape_cast %reduce_max3A_133 : vector<64xf32> to vector<64x1xf32>
    %eq3A_135 = vector.broadcast %broadcast_in_dim3A_134 : vector<64x1xf32> to vector<64x5008xf32>
    %eq3A_136 = arith.cmpf oeq, %select_n3A_131, %eq3A_135 : vector<64x5008xf32>
    %jit3A_137 = arith.constant 2147483647 : i32
    %broadcast_in_dim3A_138 = vector.broadcast %jit3A_137 : i32 to vector<64x5008xi32>
    %select_n3A_139 = arith.select %eq3A_136, %iota3A_99, %broadcast_in_dim3A_138 : vector<64x5008xi1>, vector<64x5008xi32>
    %reduce_min3A_140 = arith.constant dense<2147483647> : vector<64xi32>
    %reduce_min3A_141 = vector.multi_reduction <minsi>, %select_n3A_139, %reduce_min3A_140 [1] : vector<64x5008xi32> to vector<64xi32>
    %broadcast_in_dim3A_142 = vector.shape_cast %reduce_min3A_141 : vector<64xi32> to vector<64x1xi32>
    %eq3A_143 = vector.broadcast %broadcast_in_dim3A_142 : vector<64x1xi32> to vector<64x5008xi32>
    %eq3A_144 = arith.cmpi eq, %iota3A_99, %eq3A_143 : vector<64x5008xi32>
    %jit3A_145 = arith.constant 0xFF800000 : f32
    %broadcast_in_dim3A_146 = vector.broadcast %jit3A_145 : f32 to vector<64x5008xf32>
    %select_n3A_147 = arith.select %eq3A_144, %broadcast_in_dim3A_146, %select_n3A_131 : vector<64x5008xi1>, vector<64x5008xf32>
    %reduce_max3A_148 = arith.constant dense<0xFF800000> : vector<64xf32>
    %reduce_max3A_149 = vector.multi_reduction <maximumf>, %select_n3A_147, %reduce_max3A_148 [1] : vector<64x5008xf32> to vector<64xf32>
    %broadcast_in_dim3A_150 = vector.shape_cast %reduce_max3A_149 : vector<64xf32> to vector<64x1xf32>
    %eq3A_151 = vector.broadcast %broadcast_in_dim3A_150 : vector<64x1xf32> to vector<64x5008xf32>
    %eq3A_152 = arith.cmpf oeq, %select_n3A_147, %eq3A_151 : vector<64x5008xf32>
    %jit3A_153 = arith.constant 2147483647 : i32
    %broadcast_in_dim3A_154 = vector.broadcast %jit3A_153 : i32 to vector<64x5008xi32>
    %select_n3A_155 = arith.select %eq3A_152, %iota3A_99, %broadcast_in_dim3A_154 : vector<64x5008xi1>, vector<64x5008xi32>
    %reduce_min3A_156 = arith.constant dense<2147483647> : vector<64xi32>
    %reduce_min3A_157 = vector.multi_reduction <minsi>, %select_n3A_155, %reduce_min3A_156 [1] : vector<64x5008xi32> to vector<64xi32>
    %broadcast_in_dim3A_158 = vector.shape_cast %reduce_min3A_157 : vector<64xi32> to vector<64x1xi32>
    %eq3A_159 = vector.broadcast %broadcast_in_dim3A_158 : vector<64x1xi32> to vector<64x5008xi32>
    %eq3A_160 = arith.cmpi eq, %iota3A_99, %eq3A_159 : vector<64x5008xi32>
    %jit3A_161 = arith.constant 0xFF800000 : f32
    %broadcast_in_dim3A_162 = vector.broadcast %jit3A_161 : f32 to vector<64x5008xf32>
    %select_n3A_163 = arith.select %eq3A_160, %broadcast_in_dim3A_162, %select_n3A_147 : vector<64x5008xi1>, vector<64x5008xf32>
    %reduce_max3A_164 = arith.constant dense<0xFF800000> : vector<64xf32>
    %reduce_max3A_165 = vector.multi_reduction <maximumf>, %select_n3A_163, %reduce_max3A_164 [1] : vector<64x5008xf32> to vector<64xf32>
    %broadcast_in_dim3A_166 = vector.shape_cast %reduce_max3A_165 : vector<64xf32> to vector<64x1xf32>
    %eq3A_167 = vector.broadcast %broadcast_in_dim3A_166 : vector<64x1xf32> to vector<64x5008xf32>
    %eq3A_168 = arith.cmpf oeq, %select_n3A_163, %eq3A_167 : vector<64x5008xf32>
    %jit3A_169 = arith.constant 2147483647 : i32
    %broadcast_in_dim3A_170 = vector.broadcast %jit3A_169 : i32 to vector<64x5008xi32>
    %select_n3A_171 = arith.select %eq3A_168, %iota3A_99, %broadcast_in_dim3A_170 : vector<64x5008xi1>, vector<64x5008xi32>
    %reduce_min3A_172 = arith.constant dense<2147483647> : vector<64xi32>
    %reduce_min3A_173 = vector.multi_reduction <minsi>, %select_n3A_171, %reduce_min3A_172 [1] : vector<64x5008xi32> to vector<64xi32>
    %broadcast_in_dim3A_174 = vector.shape_cast %reduce_min3A_173 : vector<64xi32> to vector<64x1xi32>
    %mul3A_175 = arith.constant 10000 : i32
    %mul3A_176 = arith.muli %arg0, %mul3A_175 : i32
    %add3A_177 = arith.constant 4992 : i32
    %add3A_178 = arith.addi %mul3A_176, %add3A_177 : i32
    %concatenate3A_179 = tpu.concatenate %broadcast_in_dim3A_102, %broadcast_in_dim3A_118, %broadcast_in_dim3A_134, %broadcast_in_dim3A_150, %broadcast_in_dim3A_166 in 1 : vector<64x1xf32>, vector<64x1xf32>, vector<64x1xf32>, vector<64x1xf32>, vector<64x1xf32> -> vector<64x5xf32>
    %concatenate3A_180 = tpu.concatenate %broadcast_in_dim3A_110, %broadcast_in_dim3A_126, %broadcast_in_dim3A_142, %broadcast_in_dim3A_158, %broadcast_in_dim3A_174 in 1 : vector<64x1xi32>, vector<64x1xi32>, vector<64x1xi32>, vector<64x1xi32>, vector<64x1xi32> -> vector<64x5xi32>
    %add3A_181 = vector.broadcast %add3A_178 : i32 to vector<64x5xi32>
    %add3A_182 = arith.addi %concatenate3A_180, %add3A_181 : vector<64x5xi32>
    %eq3A_183 = arith.constant 0 : i32
    %eq3A_184 = arith.cmpi eq, %arg0, %eq3A_183 : i32
    %convert_element_type3A_185 = arith.extui %eq3A_184 : i1 to i32
    %cond3A = arith.constant 0xFF800000 : f32
    %cond3A_186 = arith.constant 0 : i32
    %cond3A_187 = arith.cmpi ne, %convert_element_type3A_185, %cond3A_186 : i32
    scf.if %cond3A_187 {
      %broadcast_in_dim3A_283 = vector.broadcast %cond3A : f32 to vector<64x5xf32>
      %swap3A_284 = arith.constant 0 : index
      %swap3A_285 = arith.constant 0 : index
      %swap3A_286 = vector.load %arg5[%swap3A_284, %swap3A_285] : memref<64x5xf32, #tpu.memory_space<vmem>>, vector<64x5xf32>
      tpu.vector_store %arg5[%swap3A_284, %swap3A_285], %broadcast_in_dim3A_283 {strides = array<i32>} : memref<64x5xf32, #tpu.memory_space<vmem>>, vector<64x5xf32>,
      %broadcast_in_dim3A_287 = arith.constant 2147483647 : i32
      %broadcast_in_dim3A_288 = vector.broadcast %broadcast_in_dim3A_287 : i32 to vector<64x5xi32>
      %swap3A_289 = arith.constant 0 : index
      %swap3A_290 = arith.constant 0 : index
      %swap3A_291 = vector.load %arg6[%swap3A_289, %swap3A_290] : memref<64x5xi32, #tpu.memory_space<vmem>>, vector<64x5xi32>
      tpu.vector_store %arg6[%swap3A_289, %swap3A_290], %broadcast_in_dim3A_288 {strides = array<i32>} : memref<64x5xi32, #tpu.memory_space<vmem>>, vector<64x5xi32>,
    } else {
    }
    %get3A_188 = arith.constant 0 : index
    %get3A_189 = arith.constant 0 : index
    %get3A_190 = vector.load %arg5[%get3A_188, %get3A_189] : memref<64x5xf32, #tpu.memory_space<vmem>>, vector<64x5xf32>
    %concatenate3A_191 = tpu.concatenate %get3A_190, %concatenate3A, %concatenate3A_179 in 1 : vector<64x5xf32>, vector<64x5xf32>, vector<64x5xf32> -> vector<64x15xf32>
    %get3A_192 = arith.constant 0 : index
    %get3A_193 = arith.constant 0 : index
    %get3A_194 = vector.load %arg6[%get3A_192, %get3A_193] : memref<64x5xi32, #tpu.memory_space<vmem>>, vector<64x5xi32>
    %concatenate3A_195 = tpu.concatenate %get3A_194, %add3A_97, %add3A_182 in 1 : vector<64x5xi32>, vector<64x5xi32>, vector<64x5xi32> -> vector<64x15xi32>
    %reduce_max3A_196 = arith.constant dense<0xFF800000> : vector<64xf32>
    %reduce_max3A_197 = vector.multi_reduction <maximumf>, %concatenate3A_191, %reduce_max3A_196 [1] : vector<64x15xf32> to vector<64xf32>
    %broadcast_in_dim3A_198 = vector.shape_cast %reduce_max3A_197 : vector<64xf32> to vector<64x1xf32>
    %eq3A_199 = vector.broadcast %broadcast_in_dim3A_198 : vector<64x1xf32> to vector<64x15xf32>
    %eq3A_200 = arith.cmpf oeq, %concatenate3A_191, %eq3A_199 : vector<64x15xf32>
    %jit3A_201 = arith.constant 2147483647 : i32
    %broadcast_in_dim3A_202 = vector.broadcast %jit3A_201 : i32 to vector<64x15xi32>
    %select_n3A_203 = arith.select %eq3A_200, %concatenate3A_195, %broadcast_in_dim3A_202 : vector<64x15xi1>, vector<64x15xi32>
    %reduce_min3A_204 = arith.constant dense<2147483647> : vector<64xi32>
    %reduce_min3A_205 = vector.multi_reduction <minsi>, %select_n3A_203, %reduce_min3A_204 [1] : vector<64x15xi32> to vector<64xi32>
    %broadcast_in_dim3A_206 = vector.shape_cast %reduce_min3A_205 : vector<64xi32> to vector<64x1xi32>
    %eq3A_207 = vector.broadcast %broadcast_in_dim3A_206 : vector<64x1xi32> to vector<64x15xi32>
    %eq3A_208 = arith.cmpi eq, %concatenate3A_195, %eq3A_207 : vector<64x15xi32>
    %jit3A_209 = arith.constant 0xFF800000 : f32
    %broadcast_in_dim3A_210 = vector.broadcast %jit3A_209 : f32 to vector<64x15xf32>
    %select_n3A_211 = arith.select %eq3A_208, %broadcast_in_dim3A_210, %concatenate3A_191 : vector<64x15xi1>, vector<64x15xf32>
    %reduce_max3A_212 = arith.constant dense<0xFF800000> : vector<64xf32>
    %reduce_max3A_213 = vector.multi_reduction <maximumf>, %select_n3A_211, %reduce_max3A_212 [1] : vector<64x15xf32> to vector<64xf32>
    %broadcast_in_dim3A_214 = vector.shape_cast %reduce_max3A_213 : vector<64xf32> to vector<64x1xf32>
    %eq3A_215 = vector.broadcast %broadcast_in_dim3A_214 : vector<64x1xf32> to vector<64x15xf32>
    %eq3A_216 = arith.cmpf oeq, %select_n3A_211, %eq3A_215 : vector<64x15xf32>
    %jit3A_217 = arith.constant 2147483647 : i32
    %broadcast_in_dim3A_218 = vector.broadcast %jit3A_217 : i32 to vector<64x15xi32>
    %select_n3A_219 = arith.select %eq3A_216, %concatenate3A_195, %broadcast_in_dim3A_218 : vector<64x15xi1>, vector<64x15xi32>
    %reduce_min3A_220 = arith.constant dense<2147483647> : vector<64xi32>
    %reduce_min3A_221 = vector.multi_reduction <minsi>, %select_n3A_219, %reduce_min3A_220 [1] : vector<64x15xi32> to vector<64xi32>
    %broadcast_in_dim3A_222 = vector.shape_cast %reduce_min3A_221 : vector<64xi32> to vector<64x1xi32>
    %eq3A_223 = vector.broadcast %broadcast_in_dim3A_222 : vector<64x1xi32> to vector<64x15xi32>
    %eq3A_224 = arith.cmpi eq, %concatenate3A_195, %eq3A_223 : vector<64x15xi32>
    %jit3A_225 = arith.constant 0xFF800000 : f32
    %broadcast_in_dim3A_226 = vector.broadcast %jit3A_225 : f32 to vector<64x15xf32>
    %select_n3A_227 = arith.select %eq3A_224, %broadcast_in_dim3A_226, %select_n3A_211 : vector<64x15xi1>, vector<64x15xf32>
    %reduce_max3A_228 = arith.constant dense<0xFF800000> : vector<64xf32>
    %reduce_max3A_229 = vector.multi_reduction <maximumf>, %select_n3A_227, %reduce_max3A_228 [1] : vector<64x15xf32> to vector<64xf32>
    %broadcast_in_dim3A_230 = vector.shape_cast %reduce_max3A_229 : vector<64xf32> to vector<64x1xf32>
    %eq3A_231 = vector.broadcast %broadcast_in_dim3A_230 : vector<64x1xf32> to vector<64x15xf32>
    %eq3A_232 = arith.cmpf oeq, %select_n3A_227, %eq3A_231 : vector<64x15xf32>
    %jit3A_233 = arith.constant 2147483647 : i32
    %broadcast_in_dim3A_234 = vector.broadcast %jit3A_233 : i32 to vector<64x15xi32>
    %select_n3A_235 = arith.select %eq3A_232, %concatenate3A_195, %broadcast_in_dim3A_234 : vector<64x15xi1>, vector<64x15xi32>
    %reduce_min3A_236 = arith.constant dense<2147483647> : vector<64xi32>
    %reduce_min3A_237 = vector.multi_reduction <minsi>, %select_n3A_235, %reduce_min3A_236 [1] : vector<64x15xi32> to vector<64xi32>
    %broadcast_in_dim3A_238 = vector.shape_cast %reduce_min3A_237 : vector<64xi32> to vector<64x1xi32>
    %eq3A_239 = vector.broadcast %broadcast_in_dim3A_238 : vector<64x1xi32> to vector<64x15xi32>
    %eq3A_240 = arith.cmpi eq, %concatenate3A_195, %eq3A_239 : vector<64x15xi32>
    %jit3A_241 = arith.constant 0xFF800000 : f32
    %broadcast_in_dim3A_242 = vector.broadcast %jit3A_241 : f32 to vector<64x15xf32>
    %select_n3A_243 = arith.select %eq3A_240, %broadcast_in_dim3A_242, %select_n3A_227 : vector<64x15xi1>, vector<64x15xf32>
    %reduce_max3A_244 = arith.constant dense<0xFF800000> : vector<64xf32>
    %reduce_max3A_245 = vector.multi_reduction <maximumf>, %select_n3A_243, %reduce_max3A_244 [1] : vector<64x15xf32> to vector<64xf32>
    %broadcast_in_dim3A_246 = vector.shape_cast %reduce_max3A_245 : vector<64xf32> to vector<64x1xf32>
    %eq3A_247 = vector.broadcast %broadcast_in_dim3A_246 : vector<64x1xf32> to vector<64x15xf32>
    %eq3A_248 = arith.cmpf oeq, %select_n3A_243, %eq3A_247 : vector<64x15xf32>
    %jit3A_249 = arith.constant 2147483647 : i32
    %broadcast_in_dim3A_250 = vector.broadcast %jit3A_249 : i32 to vector<64x15xi32>
    %select_n3A_251 = arith.select %eq3A_248, %concatenate3A_195, %broadcast_in_dim3A_250 : vector<64x15xi1>, vector<64x15xi32>
    %reduce_min3A_252 = arith.constant dense<2147483647> : vector<64xi32>
    %reduce_min3A_253 = vector.multi_reduction <minsi>, %select_n3A_251, %reduce_min3A_252 [1] : vector<64x15xi32> to vector<64xi32>
    %broadcast_in_dim3A_254 = vector.shape_cast %reduce_min3A_253 : vector<64xi32> to vector<64x1xi32>
    %eq3A_255 = vector.broadcast %broadcast_in_dim3A_254 : vector<64x1xi32> to vector<64x15xi32>
    %eq3A_256 = arith.cmpi eq, %concatenate3A_195, %eq3A_255 : vector<64x15xi32>
    %jit3A_257 = arith.constant 0xFF800000 : f32
    %broadcast_in_dim3A_258 = vector.broadcast %jit3A_257 : f32 to vector<64x15xf32>
    %select_n3A_259 = arith.select %eq3A_256, %broadcast_in_dim3A_258, %select_n3A_243 : vector<64x15xi1>, vector<64x15xf32>
    %reduce_max3A_260 = arith.constant dense<0xFF800000> : vector<64xf32>
    %reduce_max3A_261 = vector.multi_reduction <maximumf>, %select_n3A_259, %reduce_max3A_260 [1] : vector<64x15xf32> to vector<64xf32>
    %broadcast_in_dim3A_262 = vector.shape_cast %reduce_max3A_261 : vector<64xf32> to vector<64x1xf32>
    %eq3A_263 = vector.broadcast %broadcast_in_dim3A_262 : vector<64x1xf32> to vector<64x15xf32>
    %eq3A_264 = arith.cmpf oeq, %select_n3A_259, %eq3A_263 : vector<64x15xf32>
    %jit3A_265 = arith.constant 2147483647 : i32
    %broadcast_in_dim3A_266 = vector.broadcast %jit3A_265 : i32 to vector<64x15xi32>
    %select_n3A_267 = arith.select %eq3A_264, %concatenate3A_195, %broadcast_in_dim3A_266 : vector<64x15xi1>, vector<64x15xi32>
    %reduce_min3A_268 = arith.constant dense<2147483647> : vector<64xi32>
    %reduce_min3A_269 = vector.multi_reduction <minsi>, %select_n3A_267, %reduce_min3A_268 [1] : vector<64x15xi32> to vector<64xi32>
    %broadcast_in_dim3A_270 = vector.shape_cast %reduce_min3A_269 : vector<64xi32> to vector<64x1xi32>
    %concatenate3A_271 = tpu.concatenate %broadcast_in_dim3A_198, %broadcast_in_dim3A_214, %broadcast_in_dim3A_230, %broadcast_in_dim3A_246, %broadcast_in_dim3A_262 in 1 : vector<64x1xf32>, vector<64x1xf32>, vector<64x1xf32>, vector<64x1xf32>, vector<64x1xf32> -> vector<64x5xf32>
    %concatenate3A_272 = tpu.concatenate %broadcast_in_dim3A_206, %broadcast_in_dim3A_222, %broadcast_in_dim3A_238, %broadcast_in_dim3A_254, %broadcast_in_dim3A_270 in 1 : vector<64x1xi32>, vector<64x1xi32>, vector<64x1xi32>, vector<64x1xi32>, vector<64x1xi32> -> vector<64x5xi32>
    %swap3A = arith.constant 0 : index
    %swap3A_273 = arith.constant 0 : index
    %swap3A_274 = vector.load %arg5[%swap3A, %swap3A_273] : memref<64x5xf32, #tpu.memory_space<vmem>>, vector<64x5xf32>
    tpu.vector_store %arg5[%swap3A, %swap3A_273], %concatenate3A_271 {strides = array<i32>} : memref<64x5xf32, #tpu.memory_space<vmem>>, vector<64x5xf32>,
    %swap3A_275 = arith.constant 0 : index
    %swap3A_276 = arith.constant 0 : index
    %swap3A_277 = vector.load %arg6[%swap3A_275, %swap3A_276] : memref<64x5xi32, #tpu.memory_space<vmem>>, vector<64x5xi32>
    tpu.vector_store %arg6[%swap3A_275, %swap3A_276], %concatenate3A_272 {strides = array<i32>} : memref<64x5xi32, #tpu.memory_space<vmem>>, vector<64x5xi32>,
    %eq3A_278 = arith.constant 9 : i32
    %eq3A_279 = arith.cmpi eq, %arg0, %eq3A_278 : i32
    %convert_element_type3A_280 = arith.extui %eq3A_279 : i1 to i32
    %cond3A_281 = arith.constant 0 : i32
    %cond3A_282 = arith.cmpi ne, %convert_element_type3A_280, %cond3A_281 : i32
    scf.if %cond3A_282 {
      %swap3A_283 = arith.constant 0 : index
      %swap3A_284 = arith.constant 0 : index
      %swap3A_285 = vector.load %arg3[%swap3A_283, %swap3A_284] : memref<64x5xi32, #tpu.memory_space<vmem>>, vector<64x5xi32>
      tpu.vector_store %arg3[%swap3A_283, %swap3A_284], %concatenate3A_272 {strides = array<i32>} : memref<64x5xi32, #tpu.memory_space<vmem>>, vector<64x5xi32>,
      %gt3A = arith.constant 1.000000e-01 : f32
      %gt3A_286 = vector.broadcast %gt3A : f32 to vector<64x5xf32>
      %gt3A_287 = arith.cmpf ogt, %concatenate3A_271, %gt3A_286 : vector<64x5xf32>
      %convert_element_type3A_288 = arith.extui %gt3A_287 : vector<64x5xi1> to vector<64x5xi32>
      %reduce_sum3A_289 = arith.constant dense<0> : vector<64xi32>
      %reduce_sum3A_290 = vector.multi_reduction <add>, %convert_element_type3A_288, %reduce_sum3A_289 [1] : vector<64x5xi32> to vector<64xi32>
      %broadcast_in_dim3A_291 = vector.shape_cast %reduce_sum3A_290 : vector<64xi32> to vector<64x1xi32>
      %swap3A_292 = arith.constant 0 : index
      %swap3A_293 = arith.constant 0 : index
      %swap3A_294 = vector.load %arg4[%swap3A_292, %swap3A_293] : memref<64x1xi32, #tpu.memory_space<vmem>>, vector<64x1xi32>
      tpu.vector_store %arg4[%swap3A_292, %swap3A_293], %broadcast_in_dim3A_291 {strides = array<i32>} : memref<64x1xi32, #tpu.memory_space<vmem>>, vector<64x1xi32>,
    } else {
    }
    return
  }
  func.func @transform_0(%arg0: i32) -> (i32, i32) {
    %c0_i32 = arith.constant 0 : i32
    %c0_i32_0 = arith.constant 0 : i32
    %c0_i32_1 = arith.constant 0 : i32
    return %c0_i32, %c0_i32_0 : i32, i32
  }
  func.func @transform_1(%arg0: i32) -> (i32, i32) {
    %c0_i32 = arith.constant 0 : i32
    %c0_i32_0 = arith.constant 0 : i32
    return %arg0, %c0_i32 : i32, i32
  }
  func.func @transform_2(%arg0: i32) -> (i32, i32) {
    %c0_i32 = arith.constant 0 : i32
    %c0_i32_0 = arith.constant 0 : i32
    %c0_i32_1 = arith.constant 0 : i32
    return %c0_i32, %c0_i32_0 : i32, i32
  }
  func.func @transform_3(%arg0: i32) -> (i32, i32) {
    %c0_i32 = arith.constant 0 : i32
    %c0_i32_0 = arith.constant 0 : i32
    %c0_i32_1 = arith.constant 0 : i32
    return %c0_i32, %c0_i32_0 : i32, i32
  }
}

module attributes {stable_mosaic.version = 14 : i64} {
  func.func @_locsds_body(%arg0: i32, %arg1: memref<320xi32, #tpu.memory_space<smem>>, %arg2: memref<64x128xf32, #tpu.memory_space<vmem>>, %arg3: memref<64x128xf32, #tpu.memory_space<vmem>>, %arg4: memref<64x128xf32, #tpu.memory_space<vmem>>, %arg5: memref<64x128xf32, #tpu.memory_space<vmem>>, %arg6: memref<64x128xf32, #tpu.memory_space<vmem>>, %arg7: memref<64x128xf32, #tpu.memory_space<vmem>>, %arg8: memref<64x128xf32, #tpu.memory_space<vmem>>, %arg9: memref<64x128xf32, #tpu.memory_space<vmem>>, %arg10: memref<64x128xf32, #tpu.memory_space<vmem>>, %arg11: memref<64x128xf32, #tpu.memory_space<vmem>>, %arg12: memref<64x128xf32, #tpu.memory_space<vmem>>, %arg13: memref<64x128xf32, #tpu.memory_space<vmem>>, %arg14: memref<64x128xf32, #tpu.memory_space<vmem>>, %arg15: memref<64x128xf32, #tpu.memory_space<vmem>>, %arg16: memref<64x128xf32, #tpu.memory_space<vmem>>, %arg17: memref<64x128xf32, #tpu.memory_space<vmem>>, %arg18: memref<64x128xf32, #tpu.memory_space<vmem>>, %arg19: memref<64x128xf32, #tpu.memory_space<vmem>>, %arg20: memref<64x128xf32, #tpu.memory_space<vmem>>, %arg21: memref<64x128xf32, #tpu.memory_space<vmem>>, %arg22: memref<64x128xf32, #tpu.memory_space<vmem>>, %arg23: memref<64x128xf32, #tpu.memory_space<vmem>>, %arg24: memref<64x128xf32, #tpu.memory_space<vmem>>, %arg25: memref<64x128xf32, #tpu.memory_space<vmem>>, %arg26: memref<64x128xf32, #tpu.memory_space<vmem>>, %arg27: memref<64x128xf32, #tpu.memory_space<vmem>>, %arg28: memref<64x128xf32, #tpu.memory_space<vmem>>, %arg29: memref<64x128xf32, #tpu.memory_space<vmem>>, %arg30: memref<64x128xf32, #tpu.memory_space<vmem>>, %arg31: memref<64x128xf32, #tpu.memory_space<vmem>>, %arg32: memref<64x128xf32, #tpu.memory_space<vmem>>, %arg33: memref<64x128xf32, #tpu.memory_space<vmem>>, %arg34: memref<16x64xf32, #tpu.memory_space<vmem>>, %arg35: memref<16x64xf32, #tpu.memory_space<vmem>>) attributes {dimension_semantics = [#tpu.dimension_semantics<arbitrary>], iteration_bounds = array<i64: 20>, scalar_prefetch = 1 : i64, scratch_operands = 0 : i64, tpu.core_type = #tpu.core_type<tc>, window_params = [{transform_indices = @transform_0, window_bounds = array<i64: 64, 128>}, {transform_indices = @transform_1, window_bounds = array<i64: 64, 128>}, {transform_indices = @transform_2, window_bounds = array<i64: 64, 128>}, {transform_indices = @transform_3, window_bounds = array<i64: 64, 128>}, {transform_indices = @transform_4, window_bounds = array<i64: 64, 128>}, {transform_indices = @transform_5, window_bounds = array<i64: 64, 128>}, {transform_indices = @transform_6, window_bounds = array<i64: 64, 128>}, {transform_indices = @transform_7, window_bounds = array<i64: 64, 128>}, {transform_indices = @transform_8, window_bounds = array<i64: 64, 128>}, {transform_indices = @transform_9, window_bounds = array<i64: 64, 128>}, {transform_indices = @transform_10, window_bounds = array<i64: 64, 128>}, {transform_indices = @transform_11, window_bounds = array<i64: 64, 128>}, {transform_indices = @transform_12, window_bounds = array<i64: 64, 128>}, {transform_indices = @transform_13, window_bounds = array<i64: 64, 128>}, {transform_indices = @transform_14, window_bounds = array<i64: 64, 128>}, {transform_indices = @transform_15, window_bounds = array<i64: 64, 128>}, {transform_indices = @transform_16, window_bounds = array<i64: 64, 128>}, {transform_indices = @transform_17, window_bounds = array<i64: 64, 128>}, {transform_indices = @transform_18, window_bounds = array<i64: 64, 128>}, {transform_indices = @transform_19, window_bounds = array<i64: 64, 128>}, {transform_indices = @transform_20, window_bounds = array<i64: 64, 128>}, {transform_indices = @transform_21, window_bounds = array<i64: 64, 128>}, {transform_indices = @transform_22, window_bounds = array<i64: 64, 128>}, {transform_indices = @transform_23, window_bounds = array<i64: 64, 128>}, {transform_indices = @transform_24, window_bounds = array<i64: 64, 128>}, {transform_indices = @transform_25, window_bounds = array<i64: 64, 128>}, {transform_indices = @transform_26, window_bounds = array<i64: 64, 128>}, {transform_indices = @transform_27, window_bounds = array<i64: 64, 128>}, {transform_indices = @transform_28, window_bounds = array<i64: 64, 128>}, {transform_indices = @transform_29, window_bounds = array<i64: 64, 128>}, {transform_indices = @transform_30, window_bounds = array<i64: 64, 128>}, {transform_indices = @transform_31, window_bounds = array<i64: 64, 128>}, {transform_indices = @transform_32, window_bounds = array<i64: 16, 64>}, {transform_indices = @transform_33, window_bounds = array<i64: 16, 64>}]} {
    %broadcast_in_dim3A = arith.constant 0 : i32
    %broadcast_in_dim3A_0 = vector.broadcast %broadcast_in_dim3A : i32 to vector<1x1xi32>
    %mul3A = arith.constant 16 : i32
    %mul3A_1 = arith.muli %arg0, %mul3A : i32
    %add3A = arith.constant 0 : i32
    %add3A_2 = arith.addi %mul3A_1, %add3A : i32
    %get3A = arith.index_cast %add3A_2 : i32 to index
    %get3A_3 = memref.load %arg1[%get3A] : memref<320xi32, #tpu.memory_space<smem>>
    %jit3A = arith.constant 128 : i32
    %eq3A = arith.constant 0 : i32
    %eq3A_4 = arith.cmpi eq, %jit3A, %eq3A : i32
    %jit3A_5 = arith.constant 1 : i32
    %select_n3A = arith.select %eq3A_4, %jit3A_5, %jit3A : i32
    %rem3A = arith.remsi %get3A_3, %select_n3A : i32
    %ne3A = arith.constant 0 : i32
    %ne3A_6 = arith.cmpi ne, %rem3A, %ne3A : i32
    %lt3A = arith.constant 0 : i32
    %lt3A_7 = arith.cmpi slt, %rem3A, %lt3A : i32
    %lt3A_8 = arith.constant 0 : i32
    %lt3A_9 = arith.cmpi slt, %select_n3A, %lt3A_8 : i32
    %ne3A_10 = arith.xori %lt3A_7, %lt3A_9 : i1
    %and3A = arith.andi %ne3A_10, %ne3A_6 : i1
    %add3A_11 = arith.addi %rem3A, %select_n3A : i32
    %select_n3A_12 = arith.select %and3A, %add3A_11, %rem3A : i32
    %add3A_13 = vector.broadcast %select_n3A_12 : i32 to vector<1x1xi32>
    %add3A_14 = arith.addi %broadcast_in_dim3A_0, %add3A_13 : vector<1x1xi32>
    %broadcast_in_dim3A_15 = arith.constant 128 : i32
    %broadcast_in_dim3A_16 = vector.broadcast %broadcast_in_dim3A_15 : i32 to vector<1x1xi32>
    %mul3A_17 = arith.constant 16 : i32
    %mul3A_18 = arith.muli %arg0, %mul3A_17 : i32
    %add3A_19 = arith.constant 1 : i32
    %add3A_20 = arith.addi %mul3A_18, %add3A_19 : i32
    %get3A_21 = arith.index_cast %add3A_20 : i32 to index
    %get3A_22 = memref.load %arg1[%get3A_21] : memref<320xi32, #tpu.memory_space<smem>>
    %jit3A_23 = arith.constant 128 : i32
    %eq3A_24 = arith.constant 0 : i32
    %eq3A_25 = arith.cmpi eq, %jit3A_23, %eq3A_24 : i32
    %jit3A_26 = arith.constant 1 : i32
    %select_n3A_27 = arith.select %eq3A_25, %jit3A_26, %jit3A_23 : i32
    %rem3A_28 = arith.remsi %get3A_22, %select_n3A_27 : i32
    %ne3A_29 = arith.constant 0 : i32
    %ne3A_30 = arith.cmpi ne, %rem3A_28, %ne3A_29 : i32
    %lt3A_31 = arith.constant 0 : i32
    %lt3A_32 = arith.cmpi slt, %rem3A_28, %lt3A_31 : i32
    %lt3A_33 = arith.constant 0 : i32
    %lt3A_34 = arith.cmpi slt, %select_n3A_27, %lt3A_33 : i32
    %ne3A_35 = arith.xori %lt3A_32, %lt3A_34 : i1
    %and3A_36 = arith.andi %ne3A_35, %ne3A_30 : i1
    %add3A_37 = arith.addi %rem3A_28, %select_n3A_27 : i32
    %select_n3A_38 = arith.select %and3A_36, %add3A_37, %rem3A_28 : i32
    %add3A_39 = vector.broadcast %select_n3A_38 : i32 to vector<1x1xi32>
    %add3A_40 = arith.addi %broadcast_in_dim3A_16, %add3A_39 : vector<1x1xi32>
    %broadcast_in_dim3A_41 = arith.constant 256 : i32
    %broadcast_in_dim3A_42 = vector.broadcast %broadcast_in_dim3A_41 : i32 to vector<1x1xi32>
    %mul3A_43 = arith.constant 16 : i32
    %mul3A_44 = arith.muli %arg0, %mul3A_43 : i32
    %add3A_45 = arith.constant 2 : i32
    %add3A_46 = arith.addi %mul3A_44, %add3A_45 : i32
    %get3A_47 = arith.index_cast %add3A_46 : i32 to index
    %get3A_48 = memref.load %arg1[%get3A_47] : memref<320xi32, #tpu.memory_space<smem>>
    %jit3A_49 = arith.constant 128 : i32
    %eq3A_50 = arith.constant 0 : i32
    %eq3A_51 = arith.cmpi eq, %jit3A_49, %eq3A_50 : i32
    %jit3A_52 = arith.constant 1 : i32
    %select_n3A_53 = arith.select %eq3A_51, %jit3A_52, %jit3A_49 : i32
    %rem3A_54 = arith.remsi %get3A_48, %select_n3A_53 : i32
    %ne3A_55 = arith.constant 0 : i32
    %ne3A_56 = arith.cmpi ne, %rem3A_54, %ne3A_55 : i32
    %lt3A_57 = arith.constant 0 : i32
    %lt3A_58 = arith.cmpi slt, %rem3A_54, %lt3A_57 : i32
    %lt3A_59 = arith.constant 0 : i32
    %lt3A_60 = arith.cmpi slt, %select_n3A_53, %lt3A_59 : i32
    %ne3A_61 = arith.xori %lt3A_58, %lt3A_60 : i1
    %and3A_62 = arith.andi %ne3A_61, %ne3A_56 : i1
    %add3A_63 = arith.addi %rem3A_54, %select_n3A_53 : i32
    %select_n3A_64 = arith.select %and3A_62, %add3A_63, %rem3A_54 : i32
    %add3A_65 = vector.broadcast %select_n3A_64 : i32 to vector<1x1xi32>
    %add3A_66 = arith.addi %broadcast_in_dim3A_42, %add3A_65 : vector<1x1xi32>
    %broadcast_in_dim3A_67 = arith.constant 384 : i32
    %broadcast_in_dim3A_68 = vector.broadcast %broadcast_in_dim3A_67 : i32 to vector<1x1xi32>
    %mul3A_69 = arith.constant 16 : i32
    %mul3A_70 = arith.muli %arg0, %mul3A_69 : i32
    %add3A_71 = arith.constant 3 : i32
    %add3A_72 = arith.addi %mul3A_70, %add3A_71 : i32
    %get3A_73 = arith.index_cast %add3A_72 : i32 to index
    %get3A_74 = memref.load %arg1[%get3A_73] : memref<320xi32, #tpu.memory_space<smem>>
    %jit3A_75 = arith.constant 128 : i32
    %eq3A_76 = arith.constant 0 : i32
    %eq3A_77 = arith.cmpi eq, %jit3A_75, %eq3A_76 : i32
    %jit3A_78 = arith.constant 1 : i32
    %select_n3A_79 = arith.select %eq3A_77, %jit3A_78, %jit3A_75 : i32
    %rem3A_80 = arith.remsi %get3A_74, %select_n3A_79 : i32
    %ne3A_81 = arith.constant 0 : i32
    %ne3A_82 = arith.cmpi ne, %rem3A_80, %ne3A_81 : i32
    %lt3A_83 = arith.constant 0 : i32
    %lt3A_84 = arith.cmpi slt, %rem3A_80, %lt3A_83 : i32
    %lt3A_85 = arith.constant 0 : i32
    %lt3A_86 = arith.cmpi slt, %select_n3A_79, %lt3A_85 : i32
    %ne3A_87 = arith.xori %lt3A_84, %lt3A_86 : i1
    %and3A_88 = arith.andi %ne3A_87, %ne3A_82 : i1
    %add3A_89 = arith.addi %rem3A_80, %select_n3A_79 : i32
    %select_n3A_90 = arith.select %and3A_88, %add3A_89, %rem3A_80 : i32
    %add3A_91 = vector.broadcast %select_n3A_90 : i32 to vector<1x1xi32>
    %add3A_92 = arith.addi %broadcast_in_dim3A_68, %add3A_91 : vector<1x1xi32>
    %broadcast_in_dim3A_93 = arith.constant 512 : i32
    %broadcast_in_dim3A_94 = vector.broadcast %broadcast_in_dim3A_93 : i32 to vector<1x1xi32>
    %mul3A_95 = arith.constant 16 : i32
    %mul3A_96 = arith.muli %arg0, %mul3A_95 : i32
    %add3A_97 = arith.constant 4 : i32
    %add3A_98 = arith.addi %mul3A_96, %add3A_97 : i32
    %get3A_99 = arith.index_cast %add3A_98 : i32 to index
    %get3A_100 = memref.load %arg1[%get3A_99] : memref<320xi32, #tpu.memory_space<smem>>
    %jit3A_101 = arith.constant 128 : i32
    %eq3A_102 = arith.constant 0 : i32
    %eq3A_103 = arith.cmpi eq, %jit3A_101, %eq3A_102 : i32
    %jit3A_104 = arith.constant 1 : i32
    %select_n3A_105 = arith.select %eq3A_103, %jit3A_104, %jit3A_101 : i32
    %rem3A_106 = arith.remsi %get3A_100, %select_n3A_105 : i32
    %ne3A_107 = arith.constant 0 : i32
    %ne3A_108 = arith.cmpi ne, %rem3A_106, %ne3A_107 : i32
    %lt3A_109 = arith.constant 0 : i32
    %lt3A_110 = arith.cmpi slt, %rem3A_106, %lt3A_109 : i32
    %lt3A_111 = arith.constant 0 : i32
    %lt3A_112 = arith.cmpi slt, %select_n3A_105, %lt3A_111 : i32
    %ne3A_113 = arith.xori %lt3A_110, %lt3A_112 : i1
    %and3A_114 = arith.andi %ne3A_113, %ne3A_108 : i1
    %add3A_115 = arith.addi %rem3A_106, %select_n3A_105 : i32
    %select_n3A_116 = arith.select %and3A_114, %add3A_115, %rem3A_106 : i32
    %add3A_117 = vector.broadcast %select_n3A_116 : i32 to vector<1x1xi32>
    %add3A_118 = arith.addi %broadcast_in_dim3A_94, %add3A_117 : vector<1x1xi32>
    %broadcast_in_dim3A_119 = arith.constant 640 : i32
    %broadcast_in_dim3A_120 = vector.broadcast %broadcast_in_dim3A_119 : i32 to vector<1x1xi32>
    %mul3A_121 = arith.constant 16 : i32
    %mul3A_122 = arith.muli %arg0, %mul3A_121 : i32
    %add3A_123 = arith.constant 5 : i32
    %add3A_124 = arith.addi %mul3A_122, %add3A_123 : i32
    %get3A_125 = arith.index_cast %add3A_124 : i32 to index
    %get3A_126 = memref.load %arg1[%get3A_125] : memref<320xi32, #tpu.memory_space<smem>>
    %jit3A_127 = arith.constant 128 : i32
    %eq3A_128 = arith.constant 0 : i32
    %eq3A_129 = arith.cmpi eq, %jit3A_127, %eq3A_128 : i32
    %jit3A_130 = arith.constant 1 : i32
    %select_n3A_131 = arith.select %eq3A_129, %jit3A_130, %jit3A_127 : i32
    %rem3A_132 = arith.remsi %get3A_126, %select_n3A_131 : i32
    %ne3A_133 = arith.constant 0 : i32
    %ne3A_134 = arith.cmpi ne, %rem3A_132, %ne3A_133 : i32
    %lt3A_135 = arith.constant 0 : i32
    %lt3A_136 = arith.cmpi slt, %rem3A_132, %lt3A_135 : i32
    %lt3A_137 = arith.constant 0 : i32
    %lt3A_138 = arith.cmpi slt, %select_n3A_131, %lt3A_137 : i32
    %ne3A_139 = arith.xori %lt3A_136, %lt3A_138 : i1
    %and3A_140 = arith.andi %ne3A_139, %ne3A_134 : i1
    %add3A_141 = arith.addi %rem3A_132, %select_n3A_131 : i32
    %select_n3A_142 = arith.select %and3A_140, %add3A_141, %rem3A_132 : i32
    %add3A_143 = vector.broadcast %select_n3A_142 : i32 to vector<1x1xi32>
    %add3A_144 = arith.addi %broadcast_in_dim3A_120, %add3A_143 : vector<1x1xi32>
    %broadcast_in_dim3A_145 = arith.constant 768 : i32
    %broadcast_in_dim3A_146 = vector.broadcast %broadcast_in_dim3A_145 : i32 to vector<1x1xi32>
    %mul3A_147 = arith.constant 16 : i32
    %mul3A_148 = arith.muli %arg0, %mul3A_147 : i32
    %add3A_149 = arith.constant 6 : i32
    %add3A_150 = arith.addi %mul3A_148, %add3A_149 : i32
    %get3A_151 = arith.index_cast %add3A_150 : i32 to index
    %get3A_152 = memref.load %arg1[%get3A_151] : memref<320xi32, #tpu.memory_space<smem>>
    %jit3A_153 = arith.constant 128 : i32
    %eq3A_154 = arith.constant 0 : i32
    %eq3A_155 = arith.cmpi eq, %jit3A_153, %eq3A_154 : i32
    %jit3A_156 = arith.constant 1 : i32
    %select_n3A_157 = arith.select %eq3A_155, %jit3A_156, %jit3A_153 : i32
    %rem3A_158 = arith.remsi %get3A_152, %select_n3A_157 : i32
    %ne3A_159 = arith.constant 0 : i32
    %ne3A_160 = arith.cmpi ne, %rem3A_158, %ne3A_159 : i32
    %lt3A_161 = arith.constant 0 : i32
    %lt3A_162 = arith.cmpi slt, %rem3A_158, %lt3A_161 : i32
    %lt3A_163 = arith.constant 0 : i32
    %lt3A_164 = arith.cmpi slt, %select_n3A_157, %lt3A_163 : i32
    %ne3A_165 = arith.xori %lt3A_162, %lt3A_164 : i1
    %and3A_166 = arith.andi %ne3A_165, %ne3A_160 : i1
    %add3A_167 = arith.addi %rem3A_158, %select_n3A_157 : i32
    %select_n3A_168 = arith.select %and3A_166, %add3A_167, %rem3A_158 : i32
    %add3A_169 = vector.broadcast %select_n3A_168 : i32 to vector<1x1xi32>
    %add3A_170 = arith.addi %broadcast_in_dim3A_146, %add3A_169 : vector<1x1xi32>
    %broadcast_in_dim3A_171 = arith.constant 896 : i32
    %broadcast_in_dim3A_172 = vector.broadcast %broadcast_in_dim3A_171 : i32 to vector<1x1xi32>
    %mul3A_173 = arith.constant 16 : i32
    %mul3A_174 = arith.muli %arg0, %mul3A_173 : i32
    %add3A_175 = arith.constant 7 : i32
    %add3A_176 = arith.addi %mul3A_174, %add3A_175 : i32
    %get3A_177 = arith.index_cast %add3A_176 : i32 to index
    %get3A_178 = memref.load %arg1[%get3A_177] : memref<320xi32, #tpu.memory_space<smem>>
    %jit3A_179 = arith.constant 128 : i32
    %eq3A_180 = arith.constant 0 : i32
    %eq3A_181 = arith.cmpi eq, %jit3A_179, %eq3A_180 : i32
    %jit3A_182 = arith.constant 1 : i32
    %select_n3A_183 = arith.select %eq3A_181, %jit3A_182, %jit3A_179 : i32
    %rem3A_184 = arith.remsi %get3A_178, %select_n3A_183 : i32
    %ne3A_185 = arith.constant 0 : i32
    %ne3A_186 = arith.cmpi ne, %rem3A_184, %ne3A_185 : i32
    %lt3A_187 = arith.constant 0 : i32
    %lt3A_188 = arith.cmpi slt, %rem3A_184, %lt3A_187 : i32
    %lt3A_189 = arith.constant 0 : i32
    %lt3A_190 = arith.cmpi slt, %select_n3A_183, %lt3A_189 : i32
    %ne3A_191 = arith.xori %lt3A_188, %lt3A_190 : i1
    %and3A_192 = arith.andi %ne3A_191, %ne3A_186 : i1
    %add3A_193 = arith.addi %rem3A_184, %select_n3A_183 : i32
    %select_n3A_194 = arith.select %and3A_192, %add3A_193, %rem3A_184 : i32
    %add3A_195 = vector.broadcast %select_n3A_194 : i32 to vector<1x1xi32>
    %add3A_196 = arith.addi %broadcast_in_dim3A_172, %add3A_195 : vector<1x1xi32>
    %broadcast_in_dim3A_197 = arith.constant 1024 : i32
    %broadcast_in_dim3A_198 = vector.broadcast %broadcast_in_dim3A_197 : i32 to vector<1x1xi32>
    %mul3A_199 = arith.constant 16 : i32
    %mul3A_200 = arith.muli %arg0, %mul3A_199 : i32
    %add3A_201 = arith.constant 8 : i32
    %add3A_202 = arith.addi %mul3A_200, %add3A_201 : i32
    %get3A_203 = arith.index_cast %add3A_202 : i32 to index
    %get3A_204 = memref.load %arg1[%get3A_203] : memref<320xi32, #tpu.memory_space<smem>>
    %jit3A_205 = arith.constant 128 : i32
    %eq3A_206 = arith.constant 0 : i32
    %eq3A_207 = arith.cmpi eq, %jit3A_205, %eq3A_206 : i32
    %jit3A_208 = arith.constant 1 : i32
    %select_n3A_209 = arith.select %eq3A_207, %jit3A_208, %jit3A_205 : i32
    %rem3A_210 = arith.remsi %get3A_204, %select_n3A_209 : i32
    %ne3A_211 = arith.constant 0 : i32
    %ne3A_212 = arith.cmpi ne, %rem3A_210, %ne3A_211 : i32
    %lt3A_213 = arith.constant 0 : i32
    %lt3A_214 = arith.cmpi slt, %rem3A_210, %lt3A_213 : i32
    %lt3A_215 = arith.constant 0 : i32
    %lt3A_216 = arith.cmpi slt, %select_n3A_209, %lt3A_215 : i32
    %ne3A_217 = arith.xori %lt3A_214, %lt3A_216 : i1
    %and3A_218 = arith.andi %ne3A_217, %ne3A_212 : i1
    %add3A_219 = arith.addi %rem3A_210, %select_n3A_209 : i32
    %select_n3A_220 = arith.select %and3A_218, %add3A_219, %rem3A_210 : i32
    %add3A_221 = vector.broadcast %select_n3A_220 : i32 to vector<1x1xi32>
    %add3A_222 = arith.addi %broadcast_in_dim3A_198, %add3A_221 : vector<1x1xi32>
    %broadcast_in_dim3A_223 = arith.constant 1152 : i32
    %broadcast_in_dim3A_224 = vector.broadcast %broadcast_in_dim3A_223 : i32 to vector<1x1xi32>
    %mul3A_225 = arith.constant 16 : i32
    %mul3A_226 = arith.muli %arg0, %mul3A_225 : i32
    %add3A_227 = arith.constant 9 : i32
    %add3A_228 = arith.addi %mul3A_226, %add3A_227 : i32
    %get3A_229 = arith.index_cast %add3A_228 : i32 to index
    %get3A_230 = memref.load %arg1[%get3A_229] : memref<320xi32, #tpu.memory_space<smem>>
    %jit3A_231 = arith.constant 128 : i32
    %eq3A_232 = arith.constant 0 : i32
    %eq3A_233 = arith.cmpi eq, %jit3A_231, %eq3A_232 : i32
    %jit3A_234 = arith.constant 1 : i32
    %select_n3A_235 = arith.select %eq3A_233, %jit3A_234, %jit3A_231 : i32
    %rem3A_236 = arith.remsi %get3A_230, %select_n3A_235 : i32
    %ne3A_237 = arith.constant 0 : i32
    %ne3A_238 = arith.cmpi ne, %rem3A_236, %ne3A_237 : i32
    %lt3A_239 = arith.constant 0 : i32
    %lt3A_240 = arith.cmpi slt, %rem3A_236, %lt3A_239 : i32
    %lt3A_241 = arith.constant 0 : i32
    %lt3A_242 = arith.cmpi slt, %select_n3A_235, %lt3A_241 : i32
    %ne3A_243 = arith.xori %lt3A_240, %lt3A_242 : i1
    %and3A_244 = arith.andi %ne3A_243, %ne3A_238 : i1
    %add3A_245 = arith.addi %rem3A_236, %select_n3A_235 : i32
    %select_n3A_246 = arith.select %and3A_244, %add3A_245, %rem3A_236 : i32
    %add3A_247 = vector.broadcast %select_n3A_246 : i32 to vector<1x1xi32>
    %add3A_248 = arith.addi %broadcast_in_dim3A_224, %add3A_247 : vector<1x1xi32>
    %broadcast_in_dim3A_249 = arith.constant 1280 : i32
    %broadcast_in_dim3A_250 = vector.broadcast %broadcast_in_dim3A_249 : i32 to vector<1x1xi32>
    %mul3A_251 = arith.constant 16 : i32
    %mul3A_252 = arith.muli %arg0, %mul3A_251 : i32
    %add3A_253 = arith.constant 10 : i32
    %add3A_254 = arith.addi %mul3A_252, %add3A_253 : i32
    %get3A_255 = arith.index_cast %add3A_254 : i32 to index
    %get3A_256 = memref.load %arg1[%get3A_255] : memref<320xi32, #tpu.memory_space<smem>>
    %jit3A_257 = arith.constant 128 : i32
    %eq3A_258 = arith.constant 0 : i32
    %eq3A_259 = arith.cmpi eq, %jit3A_257, %eq3A_258 : i32
    %jit3A_260 = arith.constant 1 : i32
    %select_n3A_261 = arith.select %eq3A_259, %jit3A_260, %jit3A_257 : i32
    %rem3A_262 = arith.remsi %get3A_256, %select_n3A_261 : i32
    %ne3A_263 = arith.constant 0 : i32
    %ne3A_264 = arith.cmpi ne, %rem3A_262, %ne3A_263 : i32
    %lt3A_265 = arith.constant 0 : i32
    %lt3A_266 = arith.cmpi slt, %rem3A_262, %lt3A_265 : i32
    %lt3A_267 = arith.constant 0 : i32
    %lt3A_268 = arith.cmpi slt, %select_n3A_261, %lt3A_267 : i32
    %ne3A_269 = arith.xori %lt3A_266, %lt3A_268 : i1
    %and3A_270 = arith.andi %ne3A_269, %ne3A_264 : i1
    %add3A_271 = arith.addi %rem3A_262, %select_n3A_261 : i32
    %select_n3A_272 = arith.select %and3A_270, %add3A_271, %rem3A_262 : i32
    %add3A_273 = vector.broadcast %select_n3A_272 : i32 to vector<1x1xi32>
    %add3A_274 = arith.addi %broadcast_in_dim3A_250, %add3A_273 : vector<1x1xi32>
    %broadcast_in_dim3A_275 = arith.constant 1408 : i32
    %broadcast_in_dim3A_276 = vector.broadcast %broadcast_in_dim3A_275 : i32 to vector<1x1xi32>
    %mul3A_277 = arith.constant 16 : i32
    %mul3A_278 = arith.muli %arg0, %mul3A_277 : i32
    %add3A_279 = arith.constant 11 : i32
    %add3A_280 = arith.addi %mul3A_278, %add3A_279 : i32
    %get3A_281 = arith.index_cast %add3A_280 : i32 to index
    %get3A_282 = memref.load %arg1[%get3A_281] : memref<320xi32, #tpu.memory_space<smem>>
    %jit3A_283 = arith.constant 128 : i32
    %eq3A_284 = arith.constant 0 : i32
    %eq3A_285 = arith.cmpi eq, %jit3A_283, %eq3A_284 : i32
    %jit3A_286 = arith.constant 1 : i32
    %select_n3A_287 = arith.select %eq3A_285, %jit3A_286, %jit3A_283 : i32
    %rem3A_288 = arith.remsi %get3A_282, %select_n3A_287 : i32
    %ne3A_289 = arith.constant 0 : i32
    %ne3A_290 = arith.cmpi ne, %rem3A_288, %ne3A_289 : i32
    %lt3A_291 = arith.constant 0 : i32
    %lt3A_292 = arith.cmpi slt, %rem3A_288, %lt3A_291 : i32
    %lt3A_293 = arith.constant 0 : i32
    %lt3A_294 = arith.cmpi slt, %select_n3A_287, %lt3A_293 : i32
    %ne3A_295 = arith.xori %lt3A_292, %lt3A_294 : i1
    %and3A_296 = arith.andi %ne3A_295, %ne3A_290 : i1
    %add3A_297 = arith.addi %rem3A_288, %select_n3A_287 : i32
    %select_n3A_298 = arith.select %and3A_296, %add3A_297, %rem3A_288 : i32
    %add3A_299 = vector.broadcast %select_n3A_298 : i32 to vector<1x1xi32>
    %add3A_300 = arith.addi %broadcast_in_dim3A_276, %add3A_299 : vector<1x1xi32>
    %broadcast_in_dim3A_301 = arith.constant 1536 : i32
    %broadcast_in_dim3A_302 = vector.broadcast %broadcast_in_dim3A_301 : i32 to vector<1x1xi32>
    %mul3A_303 = arith.constant 16 : i32
    %mul3A_304 = arith.muli %arg0, %mul3A_303 : i32
    %add3A_305 = arith.constant 12 : i32
    %add3A_306 = arith.addi %mul3A_304, %add3A_305 : i32
    %get3A_307 = arith.index_cast %add3A_306 : i32 to index
    %get3A_308 = memref.load %arg1[%get3A_307] : memref<320xi32, #tpu.memory_space<smem>>
    %jit3A_309 = arith.constant 128 : i32
    %eq3A_310 = arith.constant 0 : i32
    %eq3A_311 = arith.cmpi eq, %jit3A_309, %eq3A_310 : i32
    %jit3A_312 = arith.constant 1 : i32
    %select_n3A_313 = arith.select %eq3A_311, %jit3A_312, %jit3A_309 : i32
    %rem3A_314 = arith.remsi %get3A_308, %select_n3A_313 : i32
    %ne3A_315 = arith.constant 0 : i32
    %ne3A_316 = arith.cmpi ne, %rem3A_314, %ne3A_315 : i32
    %lt3A_317 = arith.constant 0 : i32
    %lt3A_318 = arith.cmpi slt, %rem3A_314, %lt3A_317 : i32
    %lt3A_319 = arith.constant 0 : i32
    %lt3A_320 = arith.cmpi slt, %select_n3A_313, %lt3A_319 : i32
    %ne3A_321 = arith.xori %lt3A_318, %lt3A_320 : i1
    %and3A_322 = arith.andi %ne3A_321, %ne3A_316 : i1
    %add3A_323 = arith.addi %rem3A_314, %select_n3A_313 : i32
    %select_n3A_324 = arith.select %and3A_322, %add3A_323, %rem3A_314 : i32
    %add3A_325 = vector.broadcast %select_n3A_324 : i32 to vector<1x1xi32>
    %add3A_326 = arith.addi %broadcast_in_dim3A_302, %add3A_325 : vector<1x1xi32>
    %broadcast_in_dim3A_327 = arith.constant 1664 : i32
    %broadcast_in_dim3A_328 = vector.broadcast %broadcast_in_dim3A_327 : i32 to vector<1x1xi32>
    %mul3A_329 = arith.constant 16 : i32
    %mul3A_330 = arith.muli %arg0, %mul3A_329 : i32
    %add3A_331 = arith.constant 13 : i32
    %add3A_332 = arith.addi %mul3A_330, %add3A_331 : i32
    %get3A_333 = arith.index_cast %add3A_332 : i32 to index
    %get3A_334 = memref.load %arg1[%get3A_333] : memref<320xi32, #tpu.memory_space<smem>>
    %jit3A_335 = arith.constant 128 : i32
    %eq3A_336 = arith.constant 0 : i32
    %eq3A_337 = arith.cmpi eq, %jit3A_335, %eq3A_336 : i32
    %jit3A_338 = arith.constant 1 : i32
    %select_n3A_339 = arith.select %eq3A_337, %jit3A_338, %jit3A_335 : i32
    %rem3A_340 = arith.remsi %get3A_334, %select_n3A_339 : i32
    %ne3A_341 = arith.constant 0 : i32
    %ne3A_342 = arith.cmpi ne, %rem3A_340, %ne3A_341 : i32
    %lt3A_343 = arith.constant 0 : i32
    %lt3A_344 = arith.cmpi slt, %rem3A_340, %lt3A_343 : i32
    %lt3A_345 = arith.constant 0 : i32
    %lt3A_346 = arith.cmpi slt, %select_n3A_339, %lt3A_345 : i32
    %ne3A_347 = arith.xori %lt3A_344, %lt3A_346 : i1
    %and3A_348 = arith.andi %ne3A_347, %ne3A_342 : i1
    %add3A_349 = arith.addi %rem3A_340, %select_n3A_339 : i32
    %select_n3A_350 = arith.select %and3A_348, %add3A_349, %rem3A_340 : i32
    %add3A_351 = vector.broadcast %select_n3A_350 : i32 to vector<1x1xi32>
    %add3A_352 = arith.addi %broadcast_in_dim3A_328, %add3A_351 : vector<1x1xi32>
    %broadcast_in_dim3A_353 = arith.constant 1792 : i32
    %broadcast_in_dim3A_354 = vector.broadcast %broadcast_in_dim3A_353 : i32 to vector<1x1xi32>
    %mul3A_355 = arith.constant 16 : i32
    %mul3A_356 = arith.muli %arg0, %mul3A_355 : i32
    %add3A_357 = arith.constant 14 : i32
    %add3A_358 = arith.addi %mul3A_356, %add3A_357 : i32
    %get3A_359 = arith.index_cast %add3A_358 : i32 to index
    %get3A_360 = memref.load %arg1[%get3A_359] : memref<320xi32, #tpu.memory_space<smem>>
    %jit3A_361 = arith.constant 128 : i32
    %eq3A_362 = arith.constant 0 : i32
    %eq3A_363 = arith.cmpi eq, %jit3A_361, %eq3A_362 : i32
    %jit3A_364 = arith.constant 1 : i32
    %select_n3A_365 = arith.select %eq3A_363, %jit3A_364, %jit3A_361 : i32
    %rem3A_366 = arith.remsi %get3A_360, %select_n3A_365 : i32
    %ne3A_367 = arith.constant 0 : i32
    %ne3A_368 = arith.cmpi ne, %rem3A_366, %ne3A_367 : i32
    %lt3A_369 = arith.constant 0 : i32
    %lt3A_370 = arith.cmpi slt, %rem3A_366, %lt3A_369 : i32
    %lt3A_371 = arith.constant 0 : i32
    %lt3A_372 = arith.cmpi slt, %select_n3A_365, %lt3A_371 : i32
    %ne3A_373 = arith.xori %lt3A_370, %lt3A_372 : i1
    %and3A_374 = arith.andi %ne3A_373, %ne3A_368 : i1
    %add3A_375 = arith.addi %rem3A_366, %select_n3A_365 : i32
    %select_n3A_376 = arith.select %and3A_374, %add3A_375, %rem3A_366 : i32
    %add3A_377 = vector.broadcast %select_n3A_376 : i32 to vector<1x1xi32>
    %add3A_378 = arith.addi %broadcast_in_dim3A_354, %add3A_377 : vector<1x1xi32>
    %broadcast_in_dim3A_379 = arith.constant 1920 : i32
    %broadcast_in_dim3A_380 = vector.broadcast %broadcast_in_dim3A_379 : i32 to vector<1x1xi32>
    %mul3A_381 = arith.constant 16 : i32
    %mul3A_382 = arith.muli %arg0, %mul3A_381 : i32
    %add3A_383 = arith.constant 15 : i32
    %add3A_384 = arith.addi %mul3A_382, %add3A_383 : i32
    %get3A_385 = arith.index_cast %add3A_384 : i32 to index
    %get3A_386 = memref.load %arg1[%get3A_385] : memref<320xi32, #tpu.memory_space<smem>>
    %jit3A_387 = arith.constant 128 : i32
    %eq3A_388 = arith.constant 0 : i32
    %eq3A_389 = arith.cmpi eq, %jit3A_387, %eq3A_388 : i32
    %jit3A_390 = arith.constant 1 : i32
    %select_n3A_391 = arith.select %eq3A_389, %jit3A_390, %jit3A_387 : i32
    %rem3A_392 = arith.remsi %get3A_386, %select_n3A_391 : i32
    %ne3A_393 = arith.constant 0 : i32
    %ne3A_394 = arith.cmpi ne, %rem3A_392, %ne3A_393 : i32
    %lt3A_395 = arith.constant 0 : i32
    %lt3A_396 = arith.cmpi slt, %rem3A_392, %lt3A_395 : i32
    %lt3A_397 = arith.constant 0 : i32
    %lt3A_398 = arith.cmpi slt, %select_n3A_391, %lt3A_397 : i32
    %ne3A_399 = arith.xori %lt3A_396, %lt3A_398 : i1
    %and3A_400 = arith.andi %ne3A_399, %ne3A_394 : i1
    %add3A_401 = arith.addi %rem3A_392, %select_n3A_391 : i32
    %select_n3A_402 = arith.select %and3A_400, %add3A_401, %rem3A_392 : i32
    %add3A_403 = vector.broadcast %select_n3A_402 : i32 to vector<1x1xi32>
    %add3A_404 = arith.addi %broadcast_in_dim3A_380, %add3A_403 : vector<1x1xi32>
    %concatenate3A = tpu.concatenate %add3A_14, %add3A_40, %add3A_66, %add3A_92, %add3A_118, %add3A_144, %add3A_170, %add3A_196, %add3A_222, %add3A_248, %add3A_274, %add3A_300, %add3A_326, %add3A_352, %add3A_378, %add3A_404 in 0 : vector<1x1xi32>, vector<1x1xi32>, vector<1x1xi32>, vector<1x1xi32>, vector<1x1xi32>, vector<1x1xi32>, vector<1x1xi32>, vector<1x1xi32>, vector<1x1xi32>, vector<1x1xi32>, vector<1x1xi32>, vector<1x1xi32>, vector<1x1xi32>, vector<1x1xi32>, vector<1x1xi32>, vector<1x1xi32> -> vector<16x1xi32>
    %iota3A = tpu.iota {dimensions = array<i32: 1>} : vector<16x2048xi32>
    %eq3A_405 = vector.broadcast %concatenate3A : vector<16x1xi32> to vector<16x2048xi32>
    %eq3A_406 = arith.cmpi eq, %iota3A, %eq3A_405 : vector<16x2048xi32>
    %convert_element_type3A = arith.extui %eq3A_406 : vector<16x2048xi1> to vector<16x2048xi32>
    %convert_element_type3A_407 = arith.sitofp %convert_element_type3A : vector<16x2048xi32> to vector<16x2048xf32>
    %get3A_408 = arith.constant 0 : index
    %get3A_409 = arith.constant 0 : index
    %get3A_410 = vector.load %arg2[%get3A_408, %get3A_409] : memref<64x128xf32, #tpu.memory_space<vmem>>, vector<64x128xf32>
    %get3A_411 = arith.constant 0 : index
    %get3A_412 = arith.constant 0 : index
    %get3A_413 = vector.load %arg3[%get3A_411, %get3A_412] : memref<64x128xf32, #tpu.memory_space<vmem>>, vector<64x128xf32>
    %get3A_414 = arith.constant 0 : index
    %get3A_415 = arith.constant 0 : index
    %get3A_416 = vector.load %arg4[%get3A_414, %get3A_415] : memref<64x128xf32, #tpu.memory_space<vmem>>, vector<64x128xf32>
    %get3A_417 = arith.constant 0 : index
    %get3A_418 = arith.constant 0 : index
    %get3A_419 = vector.load %arg5[%get3A_417, %get3A_418] : memref<64x128xf32, #tpu.memory_space<vmem>>, vector<64x128xf32>
    %get3A_420 = arith.constant 0 : index
    %get3A_421 = arith.constant 0 : index
    %get3A_422 = vector.load %arg6[%get3A_420, %get3A_421] : memref<64x128xf32, #tpu.memory_space<vmem>>, vector<64x128xf32>
    %get3A_423 = arith.constant 0 : index
    %get3A_424 = arith.constant 0 : index
    %get3A_425 = vector.load %arg7[%get3A_423, %get3A_424] : memref<64x128xf32, #tpu.memory_space<vmem>>, vector<64x128xf32>
    %get3A_426 = arith.constant 0 : index
    %get3A_427 = arith.constant 0 : index
    %get3A_428 = vector.load %arg8[%get3A_426, %get3A_427] : memref<64x128xf32, #tpu.memory_space<vmem>>, vector<64x128xf32>
    %get3A_429 = arith.constant 0 : index
    %get3A_430 = arith.constant 0 : index
    %get3A_431 = vector.load %arg9[%get3A_429, %get3A_430] : memref<64x128xf32, #tpu.memory_space<vmem>>, vector<64x128xf32>
    %get3A_432 = arith.constant 0 : index
    %get3A_433 = arith.constant 0 : index
    %get3A_434 = vector.load %arg10[%get3A_432, %get3A_433] : memref<64x128xf32, #tpu.memory_space<vmem>>, vector<64x128xf32>
    %get3A_435 = arith.constant 0 : index
    %get3A_436 = arith.constant 0 : index
    %get3A_437 = vector.load %arg11[%get3A_435, %get3A_436] : memref<64x128xf32, #tpu.memory_space<vmem>>, vector<64x128xf32>
    %get3A_438 = arith.constant 0 : index
    %get3A_439 = arith.constant 0 : index
    %get3A_440 = vector.load %arg12[%get3A_438, %get3A_439] : memref<64x128xf32, #tpu.memory_space<vmem>>, vector<64x128xf32>
    %get3A_441 = arith.constant 0 : index
    %get3A_442 = arith.constant 0 : index
    %get3A_443 = vector.load %arg13[%get3A_441, %get3A_442] : memref<64x128xf32, #tpu.memory_space<vmem>>, vector<64x128xf32>
    %get3A_444 = arith.constant 0 : index
    %get3A_445 = arith.constant 0 : index
    %get3A_446 = vector.load %arg14[%get3A_444, %get3A_445] : memref<64x128xf32, #tpu.memory_space<vmem>>, vector<64x128xf32>
    %get3A_447 = arith.constant 0 : index
    %get3A_448 = arith.constant 0 : index
    %get3A_449 = vector.load %arg15[%get3A_447, %get3A_448] : memref<64x128xf32, #tpu.memory_space<vmem>>, vector<64x128xf32>
    %get3A_450 = arith.constant 0 : index
    %get3A_451 = arith.constant 0 : index
    %get3A_452 = vector.load %arg16[%get3A_450, %get3A_451] : memref<64x128xf32, #tpu.memory_space<vmem>>, vector<64x128xf32>
    %get3A_453 = arith.constant 0 : index
    %get3A_454 = arith.constant 0 : index
    %get3A_455 = vector.load %arg17[%get3A_453, %get3A_454] : memref<64x128xf32, #tpu.memory_space<vmem>>, vector<64x128xf32>
    %concatenate3A_456 = tpu.concatenate %get3A_410, %get3A_413, %get3A_416, %get3A_419, %get3A_422, %get3A_425, %get3A_428, %get3A_431, %get3A_434, %get3A_437, %get3A_440, %get3A_443, %get3A_446, %get3A_449, %get3A_452, %get3A_455 in 1 : vector<64x128xf32>, vector<64x128xf32>, vector<64x128xf32>, vector<64x128xf32>, vector<64x128xf32>, vector<64x128xf32>, vector<64x128xf32>, vector<64x128xf32>, vector<64x128xf32>, vector<64x128xf32>, vector<64x128xf32>, vector<64x128xf32>, vector<64x128xf32>, vector<64x128xf32>, vector<64x128xf32>, vector<64x128xf32> -> vector<64x2048xf32>
    %get3A_457 = arith.constant 0 : index
    %get3A_458 = arith.constant 0 : index
    %get3A_459 = vector.load %arg18[%get3A_457, %get3A_458] : memref<64x128xf32, #tpu.memory_space<vmem>>, vector<64x128xf32>
    %get3A_460 = arith.constant 0 : index
    %get3A_461 = arith.constant 0 : index
    %get3A_462 = vector.load %arg19[%get3A_460, %get3A_461] : memref<64x128xf32, #tpu.memory_space<vmem>>, vector<64x128xf32>
    %get3A_463 = arith.constant 0 : index
    %get3A_464 = arith.constant 0 : index
    %get3A_465 = vector.load %arg20[%get3A_463, %get3A_464] : memref<64x128xf32, #tpu.memory_space<vmem>>, vector<64x128xf32>
    %get3A_466 = arith.constant 0 : index
    %get3A_467 = arith.constant 0 : index
    %get3A_468 = vector.load %arg21[%get3A_466, %get3A_467] : memref<64x128xf32, #tpu.memory_space<vmem>>, vector<64x128xf32>
    %get3A_469 = arith.constant 0 : index
    %get3A_470 = arith.constant 0 : index
    %get3A_471 = vector.load %arg22[%get3A_469, %get3A_470] : memref<64x128xf32, #tpu.memory_space<vmem>>, vector<64x128xf32>
    %get3A_472 = arith.constant 0 : index
    %get3A_473 = arith.constant 0 : index
    %get3A_474 = vector.load %arg23[%get3A_472, %get3A_473] : memref<64x128xf32, #tpu.memory_space<vmem>>, vector<64x128xf32>
    %get3A_475 = arith.constant 0 : index
    %get3A_476 = arith.constant 0 : index
    %get3A_477 = vector.load %arg24[%get3A_475, %get3A_476] : memref<64x128xf32, #tpu.memory_space<vmem>>, vector<64x128xf32>
    %get3A_478 = arith.constant 0 : index
    %get3A_479 = arith.constant 0 : index
    %get3A_480 = vector.load %arg25[%get3A_478, %get3A_479] : memref<64x128xf32, #tpu.memory_space<vmem>>, vector<64x128xf32>
    %get3A_481 = arith.constant 0 : index
    %get3A_482 = arith.constant 0 : index
    %get3A_483 = vector.load %arg26[%get3A_481, %get3A_482] : memref<64x128xf32, #tpu.memory_space<vmem>>, vector<64x128xf32>
    %get3A_484 = arith.constant 0 : index
    %get3A_485 = arith.constant 0 : index
    %get3A_486 = vector.load %arg27[%get3A_484, %get3A_485] : memref<64x128xf32, #tpu.memory_space<vmem>>, vector<64x128xf32>
    %get3A_487 = arith.constant 0 : index
    %get3A_488 = arith.constant 0 : index
    %get3A_489 = vector.load %arg28[%get3A_487, %get3A_488] : memref<64x128xf32, #tpu.memory_space<vmem>>, vector<64x128xf32>
    %get3A_490 = arith.constant 0 : index
    %get3A_491 = arith.constant 0 : index
    %get3A_492 = vector.load %arg29[%get3A_490, %get3A_491] : memref<64x128xf32, #tpu.memory_space<vmem>>, vector<64x128xf32>
    %get3A_493 = arith.constant 0 : index
    %get3A_494 = arith.constant 0 : index
    %get3A_495 = vector.load %arg30[%get3A_493, %get3A_494] : memref<64x128xf32, #tpu.memory_space<vmem>>, vector<64x128xf32>
    %get3A_496 = arith.constant 0 : index
    %get3A_497 = arith.constant 0 : index
    %get3A_498 = vector.load %arg31[%get3A_496, %get3A_497] : memref<64x128xf32, #tpu.memory_space<vmem>>, vector<64x128xf32>
    %get3A_499 = arith.constant 0 : index
    %get3A_500 = arith.constant 0 : index
    %get3A_501 = vector.load %arg32[%get3A_499, %get3A_500] : memref<64x128xf32, #tpu.memory_space<vmem>>, vector<64x128xf32>
    %get3A_502 = arith.constant 0 : index
    %get3A_503 = arith.constant 0 : index
    %get3A_504 = vector.load %arg33[%get3A_502, %get3A_503] : memref<64x128xf32, #tpu.memory_space<vmem>>, vector<64x128xf32>
    %concatenate3A_505 = tpu.concatenate %get3A_459, %get3A_462, %get3A_465, %get3A_468, %get3A_471, %get3A_474, %get3A_477, %get3A_480, %get3A_483, %get3A_486, %get3A_489, %get3A_492, %get3A_495, %get3A_498, %get3A_501, %get3A_504 in 1 : vector<64x128xf32>, vector<64x128xf32>, vector<64x128xf32>, vector<64x128xf32>, vector<64x128xf32>, vector<64x128xf32>, vector<64x128xf32>, vector<64x128xf32>, vector<64x128xf32>, vector<64x128xf32>, vector<64x128xf32>, vector<64x128xf32>, vector<64x128xf32>, vector<64x128xf32>, vector<64x128xf32>, vector<64x128xf32> -> vector<64x2048xf32>
    %dot_general3A = arith.constant dense<0.000000e+00> : vector<16x64xf32>
    %dot_general3A_506 = tpu.matmul %convert_element_type3A_407, %concatenate3A_456, %dot_general3A {dimension_numbers = #tpu.dot_dimension_numbers<[1], [1], [0], [0], [0, 0, 1, 0], [], []>, precision = #tpu.contract_precision<fp32>, transpose_lhs_hint = false} : vector<16x2048xf32>, vector<64x2048xf32>, vector<16x64xf32> -> vector<16x64xf32>
    %swap3A = arith.constant 0 : index
    %swap3A_507 = arith.constant 0 : index
    %swap3A_508 = vector.load %arg34[%swap3A, %swap3A_507] : memref<16x64xf32, #tpu.memory_space<vmem>>, vector<16x64xf32>
    tpu.vector_store %arg34[%swap3A, %swap3A_507], %dot_general3A_506 {strides = array<i32>} : memref<16x64xf32, #tpu.memory_space<vmem>>, vector<16x64xf32>,
    %dot_general3A_509 = arith.constant dense<0.000000e+00> : vector<16x64xf32>
    %dot_general3A_510 = tpu.matmul %convert_element_type3A_407, %concatenate3A_505, %dot_general3A_509 {dimension_numbers = #tpu.dot_dimension_numbers<[1], [1], [0], [0], [0, 0, 1, 0], [], []>, precision = #tpu.contract_precision<fp32>, transpose_lhs_hint = false} : vector<16x2048xf32>, vector<64x2048xf32>, vector<16x64xf32> -> vector<16x64xf32>
    %swap3A_511 = arith.constant 0 : index
    %swap3A_512 = arith.constant 0 : index
    %swap3A_513 = vector.load %arg35[%swap3A_511, %swap3A_512] : memref<16x64xf32, #tpu.memory_space<vmem>>, vector<16x64xf32>
    tpu.vector_store %arg35[%swap3A_511, %swap3A_512], %dot_general3A_510 {strides = array<i32>} : memref<16x64xf32, #tpu.memory_space<vmem>>, vector<16x64xf32>,
    return
  }
  func.func @transform_0(%arg0: i32, %arg1: memref<320xi32, #tpu.memory_space<smem>>) -> (i32, i32) {
    %mul3A = arith.constant 16 : i32
    %mul3A_0 = arith.muli %arg0, %mul3A : i32
    %add3A = arith.constant 0 : i32
    %add3A_1 = arith.addi %mul3A_0, %add3A : i32
    %get3A = arith.index_cast %add3A_1 : i32 to index
    %get3A_2 = memref.load %arg1[%get3A] : memref<320xi32, #tpu.memory_space<smem>>
    %jit3A = arith.constant 128 : i32
    %div3A = arith.divsi %get3A_2, %jit3A : i32
    %sign3A = arith.constant 0 : i32
    %sign3A_3 = arith.cmpi sgt, %get3A_2, %sign3A : i32
    %sign3A_4 = arith.extui %sign3A_3 : i1 to i32
    %sign3A_5 = arith.constant 0 : i32
    %sign3A_6 = arith.cmpi slt, %get3A_2, %sign3A_5 : i32
    %sign3A_7 = arith.extui %sign3A_6 : i1 to i32
    %sign3A_8 = arith.subi %sign3A_4, %sign3A_7 : i32
    %sign3A_9 = arith.constant 0 : i32
    %sign3A_10 = arith.cmpi sgt, %jit3A, %sign3A_9 : i32
    %sign3A_11 = arith.extui %sign3A_10 : i1 to i32
    %sign3A_12 = arith.constant 0 : i32
    %sign3A_13 = arith.cmpi slt, %jit3A, %sign3A_12 : i32
    %sign3A_14 = arith.extui %sign3A_13 : i1 to i32
    %sign3A_15 = arith.subi %sign3A_11, %sign3A_14 : i32
    %ne3A = arith.cmpi ne, %sign3A_8, %sign3A_15 : i32
    %rem3A = arith.remsi %get3A_2, %jit3A : i32
    %ne3A_16 = arith.constant 0 : i32
    %ne3A_17 = arith.cmpi ne, %rem3A, %ne3A_16 : i32
    %and3A = arith.andi %ne3A, %ne3A_17 : i1
    %sub3A = arith.constant 1 : i32
    %sub3A_18 = arith.subi %div3A, %sub3A : i32
    %select_n3A = arith.select %and3A, %sub3A_18, %div3A : i32
    %c0_i32 = arith.constant 0 : i32
    %c0_i32_19 = arith.constant 0 : i32
    return %c0_i32, %select_n3A : i32, i32
  }
  func.func @transform_1(%arg0: i32, %arg1: memref<320xi32, #tpu.memory_space<smem>>) -> (i32, i32) {
    %mul3A = arith.constant 16 : i32
    %mul3A_0 = arith.muli %arg0, %mul3A : i32
    %add3A = arith.constant 1 : i32
    %add3A_1 = arith.addi %mul3A_0, %add3A : i32
    %get3A = arith.index_cast %add3A_1 : i32 to index
    %get3A_2 = memref.load %arg1[%get3A] : memref<320xi32, #tpu.memory_space<smem>>
    %jit3A = arith.constant 128 : i32
    %div3A = arith.divsi %get3A_2, %jit3A : i32
    %sign3A = arith.constant 0 : i32
    %sign3A_3 = arith.cmpi sgt, %get3A_2, %sign3A : i32
    %sign3A_4 = arith.extui %sign3A_3 : i1 to i32
    %sign3A_5 = arith.constant 0 : i32
    %sign3A_6 = arith.cmpi slt, %get3A_2, %sign3A_5 : i32
    %sign3A_7 = arith.extui %sign3A_6 : i1 to i32
    %sign3A_8 = arith.subi %sign3A_4, %sign3A_7 : i32
    %sign3A_9 = arith.constant 0 : i32
    %sign3A_10 = arith.cmpi sgt, %jit3A, %sign3A_9 : i32
    %sign3A_11 = arith.extui %sign3A_10 : i1 to i32
    %sign3A_12 = arith.constant 0 : i32
    %sign3A_13 = arith.cmpi slt, %jit3A, %sign3A_12 : i32
    %sign3A_14 = arith.extui %sign3A_13 : i1 to i32
    %sign3A_15 = arith.subi %sign3A_11, %sign3A_14 : i32
    %ne3A = arith.cmpi ne, %sign3A_8, %sign3A_15 : i32
    %rem3A = arith.remsi %get3A_2, %jit3A : i32
    %ne3A_16 = arith.constant 0 : i32
    %ne3A_17 = arith.cmpi ne, %rem3A, %ne3A_16 : i32
    %and3A = arith.andi %ne3A, %ne3A_17 : i1
    %sub3A = arith.constant 1 : i32
    %sub3A_18 = arith.subi %div3A, %sub3A : i32
    %select_n3A = arith.select %and3A, %sub3A_18, %div3A : i32
    %c0_i32 = arith.constant 0 : i32
    %c0_i32_19 = arith.constant 0 : i32
    return %c0_i32, %select_n3A : i32, i32
  }
  func.func @transform_2(%arg0: i32, %arg1: memref<320xi32, #tpu.memory_space<smem>>) -> (i32, i32) {
    %mul3A = arith.constant 16 : i32
    %mul3A_0 = arith.muli %arg0, %mul3A : i32
    %add3A = arith.constant 2 : i32
    %add3A_1 = arith.addi %mul3A_0, %add3A : i32
    %get3A = arith.index_cast %add3A_1 : i32 to index
    %get3A_2 = memref.load %arg1[%get3A] : memref<320xi32, #tpu.memory_space<smem>>
    %jit3A = arith.constant 128 : i32
    %div3A = arith.divsi %get3A_2, %jit3A : i32
    %sign3A = arith.constant 0 : i32
    %sign3A_3 = arith.cmpi sgt, %get3A_2, %sign3A : i32
    %sign3A_4 = arith.extui %sign3A_3 : i1 to i32
    %sign3A_5 = arith.constant 0 : i32
    %sign3A_6 = arith.cmpi slt, %get3A_2, %sign3A_5 : i32
    %sign3A_7 = arith.extui %sign3A_6 : i1 to i32
    %sign3A_8 = arith.subi %sign3A_4, %sign3A_7 : i32
    %sign3A_9 = arith.constant 0 : i32
    %sign3A_10 = arith.cmpi sgt, %jit3A, %sign3A_9 : i32
    %sign3A_11 = arith.extui %sign3A_10 : i1 to i32
    %sign3A_12 = arith.constant 0 : i32
    %sign3A_13 = arith.cmpi slt, %jit3A, %sign3A_12 : i32
    %sign3A_14 = arith.extui %sign3A_13 : i1 to i32
    %sign3A_15 = arith.subi %sign3A_11, %sign3A_14 : i32
    %ne3A = arith.cmpi ne, %sign3A_8, %sign3A_15 : i32
    %rem3A = arith.remsi %get3A_2, %jit3A : i32
    %ne3A_16 = arith.constant 0 : i32
    %ne3A_17 = arith.cmpi ne, %rem3A, %ne3A_16 : i32
    %and3A = arith.andi %ne3A, %ne3A_17 : i1
    %sub3A = arith.constant 1 : i32
    %sub3A_18 = arith.subi %div3A, %sub3A : i32
    %select_n3A = arith.select %and3A, %sub3A_18, %div3A : i32
    %c0_i32 = arith.constant 0 : i32
    %c0_i32_19 = arith.constant 0 : i32
    return %c0_i32, %select_n3A : i32, i32
  }
  func.func @transform_3(%arg0: i32, %arg1: memref<320xi32, #tpu.memory_space<smem>>) -> (i32, i32) {
    %mul3A = arith.constant 16 : i32
    %mul3A_0 = arith.muli %arg0, %mul3A : i32
    %add3A = arith.constant 3 : i32
    %add3A_1 = arith.addi %mul3A_0, %add3A : i32
    %get3A = arith.index_cast %add3A_1 : i32 to index
    %get3A_2 = memref.load %arg1[%get3A] : memref<320xi32, #tpu.memory_space<smem>>
    %jit3A = arith.constant 128 : i32
    %div3A = arith.divsi %get3A_2, %jit3A : i32
    %sign3A = arith.constant 0 : i32
    %sign3A_3 = arith.cmpi sgt, %get3A_2, %sign3A : i32
    %sign3A_4 = arith.extui %sign3A_3 : i1 to i32
    %sign3A_5 = arith.constant 0 : i32
    %sign3A_6 = arith.cmpi slt, %get3A_2, %sign3A_5 : i32
    %sign3A_7 = arith.extui %sign3A_6 : i1 to i32
    %sign3A_8 = arith.subi %sign3A_4, %sign3A_7 : i32
    %sign3A_9 = arith.constant 0 : i32
    %sign3A_10 = arith.cmpi sgt, %jit3A, %sign3A_9 : i32
    %sign3A_11 = arith.extui %sign3A_10 : i1 to i32
    %sign3A_12 = arith.constant 0 : i32
    %sign3A_13 = arith.cmpi slt, %jit3A, %sign3A_12 : i32
    %sign3A_14 = arith.extui %sign3A_13 : i1 to i32
    %sign3A_15 = arith.subi %sign3A_11, %sign3A_14 : i32
    %ne3A = arith.cmpi ne, %sign3A_8, %sign3A_15 : i32
    %rem3A = arith.remsi %get3A_2, %jit3A : i32
    %ne3A_16 = arith.constant 0 : i32
    %ne3A_17 = arith.cmpi ne, %rem3A, %ne3A_16 : i32
    %and3A = arith.andi %ne3A, %ne3A_17 : i1
    %sub3A = arith.constant 1 : i32
    %sub3A_18 = arith.subi %div3A, %sub3A : i32
    %select_n3A = arith.select %and3A, %sub3A_18, %div3A : i32
    %c0_i32 = arith.constant 0 : i32
    %c0_i32_19 = arith.constant 0 : i32
    return %c0_i32, %select_n3A : i32, i32
  }
  func.func @transform_4(%arg0: i32, %arg1: memref<320xi32, #tpu.memory_space<smem>>) -> (i32, i32) {
    %mul3A = arith.constant 16 : i32
    %mul3A_0 = arith.muli %arg0, %mul3A : i32
    %add3A = arith.constant 4 : i32
    %add3A_1 = arith.addi %mul3A_0, %add3A : i32
    %get3A = arith.index_cast %add3A_1 : i32 to index
    %get3A_2 = memref.load %arg1[%get3A] : memref<320xi32, #tpu.memory_space<smem>>
    %jit3A = arith.constant 128 : i32
    %div3A = arith.divsi %get3A_2, %jit3A : i32
    %sign3A = arith.constant 0 : i32
    %sign3A_3 = arith.cmpi sgt, %get3A_2, %sign3A : i32
    %sign3A_4 = arith.extui %sign3A_3 : i1 to i32
    %sign3A_5 = arith.constant 0 : i32
    %sign3A_6 = arith.cmpi slt, %get3A_2, %sign3A_5 : i32
    %sign3A_7 = arith.extui %sign3A_6 : i1 to i32
    %sign3A_8 = arith.subi %sign3A_4, %sign3A_7 : i32
    %sign3A_9 = arith.constant 0 : i32
    %sign3A_10 = arith.cmpi sgt, %jit3A, %sign3A_9 : i32
    %sign3A_11 = arith.extui %sign3A_10 : i1 to i32
    %sign3A_12 = arith.constant 0 : i32
    %sign3A_13 = arith.cmpi slt, %jit3A, %sign3A_12 : i32
    %sign3A_14 = arith.extui %sign3A_13 : i1 to i32
    %sign3A_15 = arith.subi %sign3A_11, %sign3A_14 : i32
    %ne3A = arith.cmpi ne, %sign3A_8, %sign3A_15 : i32
    %rem3A = arith.remsi %get3A_2, %jit3A : i32
    %ne3A_16 = arith.constant 0 : i32
    %ne3A_17 = arith.cmpi ne, %rem3A, %ne3A_16 : i32
    %and3A = arith.andi %ne3A, %ne3A_17 : i1
    %sub3A = arith.constant 1 : i32
    %sub3A_18 = arith.subi %div3A, %sub3A : i32
    %select_n3A = arith.select %and3A, %sub3A_18, %div3A : i32
    %c0_i32 = arith.constant 0 : i32
    %c0_i32_19 = arith.constant 0 : i32
    return %c0_i32, %select_n3A : i32, i32
  }
  func.func @transform_5(%arg0: i32, %arg1: memref<320xi32, #tpu.memory_space<smem>>) -> (i32, i32) {
    %mul3A = arith.constant 16 : i32
    %mul3A_0 = arith.muli %arg0, %mul3A : i32
    %add3A = arith.constant 5 : i32
    %add3A_1 = arith.addi %mul3A_0, %add3A : i32
    %get3A = arith.index_cast %add3A_1 : i32 to index
    %get3A_2 = memref.load %arg1[%get3A] : memref<320xi32, #tpu.memory_space<smem>>
    %jit3A = arith.constant 128 : i32
    %div3A = arith.divsi %get3A_2, %jit3A : i32
    %sign3A = arith.constant 0 : i32
    %sign3A_3 = arith.cmpi sgt, %get3A_2, %sign3A : i32
    %sign3A_4 = arith.extui %sign3A_3 : i1 to i32
    %sign3A_5 = arith.constant 0 : i32
    %sign3A_6 = arith.cmpi slt, %get3A_2, %sign3A_5 : i32
    %sign3A_7 = arith.extui %sign3A_6 : i1 to i32
    %sign3A_8 = arith.subi %sign3A_4, %sign3A_7 : i32
    %sign3A_9 = arith.constant 0 : i32
    %sign3A_10 = arith.cmpi sgt, %jit3A, %sign3A_9 : i32
    %sign3A_11 = arith.extui %sign3A_10 : i1 to i32
    %sign3A_12 = arith.constant 0 : i32
    %sign3A_13 = arith.cmpi slt, %jit3A, %sign3A_12 : i32
    %sign3A_14 = arith.extui %sign3A_13 : i1 to i32
    %sign3A_15 = arith.subi %sign3A_11, %sign3A_14 : i32
    %ne3A = arith.cmpi ne, %sign3A_8, %sign3A_15 : i32
    %rem3A = arith.remsi %get3A_2, %jit3A : i32
    %ne3A_16 = arith.constant 0 : i32
    %ne3A_17 = arith.cmpi ne, %rem3A, %ne3A_16 : i32
    %and3A = arith.andi %ne3A, %ne3A_17 : i1
    %sub3A = arith.constant 1 : i32
    %sub3A_18 = arith.subi %div3A, %sub3A : i32
    %select_n3A = arith.select %and3A, %sub3A_18, %div3A : i32
    %c0_i32 = arith.constant 0 : i32
    %c0_i32_19 = arith.constant 0 : i32
    return %c0_i32, %select_n3A : i32, i32
  }
  func.func @transform_6(%arg0: i32, %arg1: memref<320xi32, #tpu.memory_space<smem>>) -> (i32, i32) {
    %mul3A = arith.constant 16 : i32
    %mul3A_0 = arith.muli %arg0, %mul3A : i32
    %add3A = arith.constant 6 : i32
    %add3A_1 = arith.addi %mul3A_0, %add3A : i32
    %get3A = arith.index_cast %add3A_1 : i32 to index
    %get3A_2 = memref.load %arg1[%get3A] : memref<320xi32, #tpu.memory_space<smem>>
    %jit3A = arith.constant 128 : i32
    %div3A = arith.divsi %get3A_2, %jit3A : i32
    %sign3A = arith.constant 0 : i32
    %sign3A_3 = arith.cmpi sgt, %get3A_2, %sign3A : i32
    %sign3A_4 = arith.extui %sign3A_3 : i1 to i32
    %sign3A_5 = arith.constant 0 : i32
    %sign3A_6 = arith.cmpi slt, %get3A_2, %sign3A_5 : i32
    %sign3A_7 = arith.extui %sign3A_6 : i1 to i32
    %sign3A_8 = arith.subi %sign3A_4, %sign3A_7 : i32
    %sign3A_9 = arith.constant 0 : i32
    %sign3A_10 = arith.cmpi sgt, %jit3A, %sign3A_9 : i32
    %sign3A_11 = arith.extui %sign3A_10 : i1 to i32
    %sign3A_12 = arith.constant 0 : i32
    %sign3A_13 = arith.cmpi slt, %jit3A, %sign3A_12 : i32
    %sign3A_14 = arith.extui %sign3A_13 : i1 to i32
    %sign3A_15 = arith.subi %sign3A_11, %sign3A_14 : i32
    %ne3A = arith.cmpi ne, %sign3A_8, %sign3A_15 : i32
    %rem3A = arith.remsi %get3A_2, %jit3A : i32
    %ne3A_16 = arith.constant 0 : i32
    %ne3A_17 = arith.cmpi ne, %rem3A, %ne3A_16 : i32
    %and3A = arith.andi %ne3A, %ne3A_17 : i1
    %sub3A = arith.constant 1 : i32
    %sub3A_18 = arith.subi %div3A, %sub3A : i32
    %select_n3A = arith.select %and3A, %sub3A_18, %div3A : i32
    %c0_i32 = arith.constant 0 : i32
    %c0_i32_19 = arith.constant 0 : i32
    return %c0_i32, %select_n3A : i32, i32
  }
  func.func @transform_7(%arg0: i32, %arg1: memref<320xi32, #tpu.memory_space<smem>>) -> (i32, i32) {
    %mul3A = arith.constant 16 : i32
    %mul3A_0 = arith.muli %arg0, %mul3A : i32
    %add3A = arith.constant 7 : i32
    %add3A_1 = arith.addi %mul3A_0, %add3A : i32
    %get3A = arith.index_cast %add3A_1 : i32 to index
    %get3A_2 = memref.load %arg1[%get3A] : memref<320xi32, #tpu.memory_space<smem>>
    %jit3A = arith.constant 128 : i32
    %div3A = arith.divsi %get3A_2, %jit3A : i32
    %sign3A = arith.constant 0 : i32
    %sign3A_3 = arith.cmpi sgt, %get3A_2, %sign3A : i32
    %sign3A_4 = arith.extui %sign3A_3 : i1 to i32
    %sign3A_5 = arith.constant 0 : i32
    %sign3A_6 = arith.cmpi slt, %get3A_2, %sign3A_5 : i32
    %sign3A_7 = arith.extui %sign3A_6 : i1 to i32
    %sign3A_8 = arith.subi %sign3A_4, %sign3A_7 : i32
    %sign3A_9 = arith.constant 0 : i32
    %sign3A_10 = arith.cmpi sgt, %jit3A, %sign3A_9 : i32
    %sign3A_11 = arith.extui %sign3A_10 : i1 to i32
    %sign3A_12 = arith.constant 0 : i32
    %sign3A_13 = arith.cmpi slt, %jit3A, %sign3A_12 : i32
    %sign3A_14 = arith.extui %sign3A_13 : i1 to i32
    %sign3A_15 = arith.subi %sign3A_11, %sign3A_14 : i32
    %ne3A = arith.cmpi ne, %sign3A_8, %sign3A_15 : i32
    %rem3A = arith.remsi %get3A_2, %jit3A : i32
    %ne3A_16 = arith.constant 0 : i32
    %ne3A_17 = arith.cmpi ne, %rem3A, %ne3A_16 : i32
    %and3A = arith.andi %ne3A, %ne3A_17 : i1
    %sub3A = arith.constant 1 : i32
    %sub3A_18 = arith.subi %div3A, %sub3A : i32
    %select_n3A = arith.select %and3A, %sub3A_18, %div3A : i32
    %c0_i32 = arith.constant 0 : i32
    %c0_i32_19 = arith.constant 0 : i32
    return %c0_i32, %select_n3A : i32, i32
  }
  func.func @transform_8(%arg0: i32, %arg1: memref<320xi32, #tpu.memory_space<smem>>) -> (i32, i32) {
    %mul3A = arith.constant 16 : i32
    %mul3A_0 = arith.muli %arg0, %mul3A : i32
    %add3A = arith.constant 8 : i32
    %add3A_1 = arith.addi %mul3A_0, %add3A : i32
    %get3A = arith.index_cast %add3A_1 : i32 to index
    %get3A_2 = memref.load %arg1[%get3A] : memref<320xi32, #tpu.memory_space<smem>>
    %jit3A = arith.constant 128 : i32
    %div3A = arith.divsi %get3A_2, %jit3A : i32
    %sign3A = arith.constant 0 : i32
    %sign3A_3 = arith.cmpi sgt, %get3A_2, %sign3A : i32
    %sign3A_4 = arith.extui %sign3A_3 : i1 to i32
    %sign3A_5 = arith.constant 0 : i32
    %sign3A_6 = arith.cmpi slt, %get3A_2, %sign3A_5 : i32
    %sign3A_7 = arith.extui %sign3A_6 : i1 to i32
    %sign3A_8 = arith.subi %sign3A_4, %sign3A_7 : i32
    %sign3A_9 = arith.constant 0 : i32
    %sign3A_10 = arith.cmpi sgt, %jit3A, %sign3A_9 : i32
    %sign3A_11 = arith.extui %sign3A_10 : i1 to i32
    %sign3A_12 = arith.constant 0 : i32
    %sign3A_13 = arith.cmpi slt, %jit3A, %sign3A_12 : i32
    %sign3A_14 = arith.extui %sign3A_13 : i1 to i32
    %sign3A_15 = arith.subi %sign3A_11, %sign3A_14 : i32
    %ne3A = arith.cmpi ne, %sign3A_8, %sign3A_15 : i32
    %rem3A = arith.remsi %get3A_2, %jit3A : i32
    %ne3A_16 = arith.constant 0 : i32
    %ne3A_17 = arith.cmpi ne, %rem3A, %ne3A_16 : i32
    %and3A = arith.andi %ne3A, %ne3A_17 : i1
    %sub3A = arith.constant 1 : i32
    %sub3A_18 = arith.subi %div3A, %sub3A : i32
    %select_n3A = arith.select %and3A, %sub3A_18, %div3A : i32
    %c0_i32 = arith.constant 0 : i32
    %c0_i32_19 = arith.constant 0 : i32
    return %c0_i32, %select_n3A : i32, i32
  }
  func.func @transform_9(%arg0: i32, %arg1: memref<320xi32, #tpu.memory_space<smem>>) -> (i32, i32) {
    %mul3A = arith.constant 16 : i32
    %mul3A_0 = arith.muli %arg0, %mul3A : i32
    %add3A = arith.constant 9 : i32
    %add3A_1 = arith.addi %mul3A_0, %add3A : i32
    %get3A = arith.index_cast %add3A_1 : i32 to index
    %get3A_2 = memref.load %arg1[%get3A] : memref<320xi32, #tpu.memory_space<smem>>
    %jit3A = arith.constant 128 : i32
    %div3A = arith.divsi %get3A_2, %jit3A : i32
    %sign3A = arith.constant 0 : i32
    %sign3A_3 = arith.cmpi sgt, %get3A_2, %sign3A : i32
    %sign3A_4 = arith.extui %sign3A_3 : i1 to i32
    %sign3A_5 = arith.constant 0 : i32
    %sign3A_6 = arith.cmpi slt, %get3A_2, %sign3A_5 : i32
    %sign3A_7 = arith.extui %sign3A_6 : i1 to i32
    %sign3A_8 = arith.subi %sign3A_4, %sign3A_7 : i32
    %sign3A_9 = arith.constant 0 : i32
    %sign3A_10 = arith.cmpi sgt, %jit3A, %sign3A_9 : i32
    %sign3A_11 = arith.extui %sign3A_10 : i1 to i32
    %sign3A_12 = arith.constant 0 : i32
    %sign3A_13 = arith.cmpi slt, %jit3A, %sign3A_12 : i32
    %sign3A_14 = arith.extui %sign3A_13 : i1 to i32
    %sign3A_15 = arith.subi %sign3A_11, %sign3A_14 : i32
    %ne3A = arith.cmpi ne, %sign3A_8, %sign3A_15 : i32
    %rem3A = arith.remsi %get3A_2, %jit3A : i32
    %ne3A_16 = arith.constant 0 : i32
    %ne3A_17 = arith.cmpi ne, %rem3A, %ne3A_16 : i32
    %and3A = arith.andi %ne3A, %ne3A_17 : i1
    %sub3A = arith.constant 1 : i32
    %sub3A_18 = arith.subi %div3A, %sub3A : i32
    %select_n3A = arith.select %and3A, %sub3A_18, %div3A : i32
    %c0_i32 = arith.constant 0 : i32
    %c0_i32_19 = arith.constant 0 : i32
    return %c0_i32, %select_n3A : i32, i32
  }
  func.func @transform_10(%arg0: i32, %arg1: memref<320xi32, #tpu.memory_space<smem>>) -> (i32, i32) {
    %mul3A = arith.constant 16 : i32
    %mul3A_0 = arith.muli %arg0, %mul3A : i32
    %add3A = arith.constant 10 : i32
    %add3A_1 = arith.addi %mul3A_0, %add3A : i32
    %get3A = arith.index_cast %add3A_1 : i32 to index
    %get3A_2 = memref.load %arg1[%get3A] : memref<320xi32, #tpu.memory_space<smem>>
    %jit3A = arith.constant 128 : i32
    %div3A = arith.divsi %get3A_2, %jit3A : i32
    %sign3A = arith.constant 0 : i32
    %sign3A_3 = arith.cmpi sgt, %get3A_2, %sign3A : i32
    %sign3A_4 = arith.extui %sign3A_3 : i1 to i32
    %sign3A_5 = arith.constant 0 : i32
    %sign3A_6 = arith.cmpi slt, %get3A_2, %sign3A_5 : i32
    %sign3A_7 = arith.extui %sign3A_6 : i1 to i32
    %sign3A_8 = arith.subi %sign3A_4, %sign3A_7 : i32
    %sign3A_9 = arith.constant 0 : i32
    %sign3A_10 = arith.cmpi sgt, %jit3A, %sign3A_9 : i32
    %sign3A_11 = arith.extui %sign3A_10 : i1 to i32
    %sign3A_12 = arith.constant 0 : i32
    %sign3A_13 = arith.cmpi slt, %jit3A, %sign3A_12 : i32
    %sign3A_14 = arith.extui %sign3A_13 : i1 to i32
    %sign3A_15 = arith.subi %sign3A_11, %sign3A_14 : i32
    %ne3A = arith.cmpi ne, %sign3A_8, %sign3A_15 : i32
    %rem3A = arith.remsi %get3A_2, %jit3A : i32
    %ne3A_16 = arith.constant 0 : i32
    %ne3A_17 = arith.cmpi ne, %rem3A, %ne3A_16 : i32
    %and3A = arith.andi %ne3A, %ne3A_17 : i1
    %sub3A = arith.constant 1 : i32
    %sub3A_18 = arith.subi %div3A, %sub3A : i32
    %select_n3A = arith.select %and3A, %sub3A_18, %div3A : i32
    %c0_i32 = arith.constant 0 : i32
    %c0_i32_19 = arith.constant 0 : i32
    return %c0_i32, %select_n3A : i32, i32
  }
  func.func @transform_11(%arg0: i32, %arg1: memref<320xi32, #tpu.memory_space<smem>>) -> (i32, i32) {
    %mul3A = arith.constant 16 : i32
    %mul3A_0 = arith.muli %arg0, %mul3A : i32
    %add3A = arith.constant 11 : i32
    %add3A_1 = arith.addi %mul3A_0, %add3A : i32
    %get3A = arith.index_cast %add3A_1 : i32 to index
    %get3A_2 = memref.load %arg1[%get3A] : memref<320xi32, #tpu.memory_space<smem>>
    %jit3A = arith.constant 128 : i32
    %div3A = arith.divsi %get3A_2, %jit3A : i32
    %sign3A = arith.constant 0 : i32
    %sign3A_3 = arith.cmpi sgt, %get3A_2, %sign3A : i32
    %sign3A_4 = arith.extui %sign3A_3 : i1 to i32
    %sign3A_5 = arith.constant 0 : i32
    %sign3A_6 = arith.cmpi slt, %get3A_2, %sign3A_5 : i32
    %sign3A_7 = arith.extui %sign3A_6 : i1 to i32
    %sign3A_8 = arith.subi %sign3A_4, %sign3A_7 : i32
    %sign3A_9 = arith.constant 0 : i32
    %sign3A_10 = arith.cmpi sgt, %jit3A, %sign3A_9 : i32
    %sign3A_11 = arith.extui %sign3A_10 : i1 to i32
    %sign3A_12 = arith.constant 0 : i32
    %sign3A_13 = arith.cmpi slt, %jit3A, %sign3A_12 : i32
    %sign3A_14 = arith.extui %sign3A_13 : i1 to i32
    %sign3A_15 = arith.subi %sign3A_11, %sign3A_14 : i32
    %ne3A = arith.cmpi ne, %sign3A_8, %sign3A_15 : i32
    %rem3A = arith.remsi %get3A_2, %jit3A : i32
    %ne3A_16 = arith.constant 0 : i32
    %ne3A_17 = arith.cmpi ne, %rem3A, %ne3A_16 : i32
    %and3A = arith.andi %ne3A, %ne3A_17 : i1
    %sub3A = arith.constant 1 : i32
    %sub3A_18 = arith.subi %div3A, %sub3A : i32
    %select_n3A = arith.select %and3A, %sub3A_18, %div3A : i32
    %c0_i32 = arith.constant 0 : i32
    %c0_i32_19 = arith.constant 0 : i32
    return %c0_i32, %select_n3A : i32, i32
  }
  func.func @transform_12(%arg0: i32, %arg1: memref<320xi32, #tpu.memory_space<smem>>) -> (i32, i32) {
    %mul3A = arith.constant 16 : i32
    %mul3A_0 = arith.muli %arg0, %mul3A : i32
    %add3A = arith.constant 12 : i32
    %add3A_1 = arith.addi %mul3A_0, %add3A : i32
    %get3A = arith.index_cast %add3A_1 : i32 to index
    %get3A_2 = memref.load %arg1[%get3A] : memref<320xi32, #tpu.memory_space<smem>>
    %jit3A = arith.constant 128 : i32
    %div3A = arith.divsi %get3A_2, %jit3A : i32
    %sign3A = arith.constant 0 : i32
    %sign3A_3 = arith.cmpi sgt, %get3A_2, %sign3A : i32
    %sign3A_4 = arith.extui %sign3A_3 : i1 to i32
    %sign3A_5 = arith.constant 0 : i32
    %sign3A_6 = arith.cmpi slt, %get3A_2, %sign3A_5 : i32
    %sign3A_7 = arith.extui %sign3A_6 : i1 to i32
    %sign3A_8 = arith.subi %sign3A_4, %sign3A_7 : i32
    %sign3A_9 = arith.constant 0 : i32
    %sign3A_10 = arith.cmpi sgt, %jit3A, %sign3A_9 : i32
    %sign3A_11 = arith.extui %sign3A_10 : i1 to i32
    %sign3A_12 = arith.constant 0 : i32
    %sign3A_13 = arith.cmpi slt, %jit3A, %sign3A_12 : i32
    %sign3A_14 = arith.extui %sign3A_13 : i1 to i32
    %sign3A_15 = arith.subi %sign3A_11, %sign3A_14 : i32
    %ne3A = arith.cmpi ne, %sign3A_8, %sign3A_15 : i32
    %rem3A = arith.remsi %get3A_2, %jit3A : i32
    %ne3A_16 = arith.constant 0 : i32
    %ne3A_17 = arith.cmpi ne, %rem3A, %ne3A_16 : i32
    %and3A = arith.andi %ne3A, %ne3A_17 : i1
    %sub3A = arith.constant 1 : i32
    %sub3A_18 = arith.subi %div3A, %sub3A : i32
    %select_n3A = arith.select %and3A, %sub3A_18, %div3A : i32
    %c0_i32 = arith.constant 0 : i32
    %c0_i32_19 = arith.constant 0 : i32
    return %c0_i32, %select_n3A : i32, i32
  }
  func.func @transform_13(%arg0: i32, %arg1: memref<320xi32, #tpu.memory_space<smem>>) -> (i32, i32) {
    %mul3A = arith.constant 16 : i32
    %mul3A_0 = arith.muli %arg0, %mul3A : i32
    %add3A = arith.constant 13 : i32
    %add3A_1 = arith.addi %mul3A_0, %add3A : i32
    %get3A = arith.index_cast %add3A_1 : i32 to index
    %get3A_2 = memref.load %arg1[%get3A] : memref<320xi32, #tpu.memory_space<smem>>
    %jit3A = arith.constant 128 : i32
    %div3A = arith.divsi %get3A_2, %jit3A : i32
    %sign3A = arith.constant 0 : i32
    %sign3A_3 = arith.cmpi sgt, %get3A_2, %sign3A : i32
    %sign3A_4 = arith.extui %sign3A_3 : i1 to i32
    %sign3A_5 = arith.constant 0 : i32
    %sign3A_6 = arith.cmpi slt, %get3A_2, %sign3A_5 : i32
    %sign3A_7 = arith.extui %sign3A_6 : i1 to i32
    %sign3A_8 = arith.subi %sign3A_4, %sign3A_7 : i32
    %sign3A_9 = arith.constant 0 : i32
    %sign3A_10 = arith.cmpi sgt, %jit3A, %sign3A_9 : i32
    %sign3A_11 = arith.extui %sign3A_10 : i1 to i32
    %sign3A_12 = arith.constant 0 : i32
    %sign3A_13 = arith.cmpi slt, %jit3A, %sign3A_12 : i32
    %sign3A_14 = arith.extui %sign3A_13 : i1 to i32
    %sign3A_15 = arith.subi %sign3A_11, %sign3A_14 : i32
    %ne3A = arith.cmpi ne, %sign3A_8, %sign3A_15 : i32
    %rem3A = arith.remsi %get3A_2, %jit3A : i32
    %ne3A_16 = arith.constant 0 : i32
    %ne3A_17 = arith.cmpi ne, %rem3A, %ne3A_16 : i32
    %and3A = arith.andi %ne3A, %ne3A_17 : i1
    %sub3A = arith.constant 1 : i32
    %sub3A_18 = arith.subi %div3A, %sub3A : i32
    %select_n3A = arith.select %and3A, %sub3A_18, %div3A : i32
    %c0_i32 = arith.constant 0 : i32
    %c0_i32_19 = arith.constant 0 : i32
    return %c0_i32, %select_n3A : i32, i32
  }
  func.func @transform_14(%arg0: i32, %arg1: memref<320xi32, #tpu.memory_space<smem>>) -> (i32, i32) {
    %mul3A = arith.constant 16 : i32
    %mul3A_0 = arith.muli %arg0, %mul3A : i32
    %add3A = arith.constant 14 : i32
    %add3A_1 = arith.addi %mul3A_0, %add3A : i32
    %get3A = arith.index_cast %add3A_1 : i32 to index
    %get3A_2 = memref.load %arg1[%get3A] : memref<320xi32, #tpu.memory_space<smem>>
    %jit3A = arith.constant 128 : i32
    %div3A = arith.divsi %get3A_2, %jit3A : i32
    %sign3A = arith.constant 0 : i32
    %sign3A_3 = arith.cmpi sgt, %get3A_2, %sign3A : i32
    %sign3A_4 = arith.extui %sign3A_3 : i1 to i32
    %sign3A_5 = arith.constant 0 : i32
    %sign3A_6 = arith.cmpi slt, %get3A_2, %sign3A_5 : i32
    %sign3A_7 = arith.extui %sign3A_6 : i1 to i32
    %sign3A_8 = arith.subi %sign3A_4, %sign3A_7 : i32
    %sign3A_9 = arith.constant 0 : i32
    %sign3A_10 = arith.cmpi sgt, %jit3A, %sign3A_9 : i32
    %sign3A_11 = arith.extui %sign3A_10 : i1 to i32
    %sign3A_12 = arith.constant 0 : i32
    %sign3A_13 = arith.cmpi slt, %jit3A, %sign3A_12 : i32
    %sign3A_14 = arith.extui %sign3A_13 : i1 to i32
    %sign3A_15 = arith.subi %sign3A_11, %sign3A_14 : i32
    %ne3A = arith.cmpi ne, %sign3A_8, %sign3A_15 : i32
    %rem3A = arith.remsi %get3A_2, %jit3A : i32
    %ne3A_16 = arith.constant 0 : i32
    %ne3A_17 = arith.cmpi ne, %rem3A, %ne3A_16 : i32
    %and3A = arith.andi %ne3A, %ne3A_17 : i1
    %sub3A = arith.constant 1 : i32
    %sub3A_18 = arith.subi %div3A, %sub3A : i32
    %select_n3A = arith.select %and3A, %sub3A_18, %div3A : i32
    %c0_i32 = arith.constant 0 : i32
    %c0_i32_19 = arith.constant 0 : i32
    return %c0_i32, %select_n3A : i32, i32
  }
  func.func @transform_15(%arg0: i32, %arg1: memref<320xi32, #tpu.memory_space<smem>>) -> (i32, i32) {
    %mul3A = arith.constant 16 : i32
    %mul3A_0 = arith.muli %arg0, %mul3A : i32
    %add3A = arith.constant 15 : i32
    %add3A_1 = arith.addi %mul3A_0, %add3A : i32
    %get3A = arith.index_cast %add3A_1 : i32 to index
    %get3A_2 = memref.load %arg1[%get3A] : memref<320xi32, #tpu.memory_space<smem>>
    %jit3A = arith.constant 128 : i32
    %div3A = arith.divsi %get3A_2, %jit3A : i32
    %sign3A = arith.constant 0 : i32
    %sign3A_3 = arith.cmpi sgt, %get3A_2, %sign3A : i32
    %sign3A_4 = arith.extui %sign3A_3 : i1 to i32
    %sign3A_5 = arith.constant 0 : i32
    %sign3A_6 = arith.cmpi slt, %get3A_2, %sign3A_5 : i32
    %sign3A_7 = arith.extui %sign3A_6 : i1 to i32
    %sign3A_8 = arith.subi %sign3A_4, %sign3A_7 : i32
    %sign3A_9 = arith.constant 0 : i32
    %sign3A_10 = arith.cmpi sgt, %jit3A, %sign3A_9 : i32
    %sign3A_11 = arith.extui %sign3A_10 : i1 to i32
    %sign3A_12 = arith.constant 0 : i32
    %sign3A_13 = arith.cmpi slt, %jit3A, %sign3A_12 : i32
    %sign3A_14 = arith.extui %sign3A_13 : i1 to i32
    %sign3A_15 = arith.subi %sign3A_11, %sign3A_14 : i32
    %ne3A = arith.cmpi ne, %sign3A_8, %sign3A_15 : i32
    %rem3A = arith.remsi %get3A_2, %jit3A : i32
    %ne3A_16 = arith.constant 0 : i32
    %ne3A_17 = arith.cmpi ne, %rem3A, %ne3A_16 : i32
    %and3A = arith.andi %ne3A, %ne3A_17 : i1
    %sub3A = arith.constant 1 : i32
    %sub3A_18 = arith.subi %div3A, %sub3A : i32
    %select_n3A = arith.select %and3A, %sub3A_18, %div3A : i32
    %c0_i32 = arith.constant 0 : i32
    %c0_i32_19 = arith.constant 0 : i32
    return %c0_i32, %select_n3A : i32, i32
  }
  func.func @transform_16(%arg0: i32, %arg1: memref<320xi32, #tpu.memory_space<smem>>) -> (i32, i32) {
    %mul3A = arith.constant 16 : i32
    %mul3A_0 = arith.muli %arg0, %mul3A : i32
    %add3A = arith.constant 0 : i32
    %add3A_1 = arith.addi %mul3A_0, %add3A : i32
    %get3A = arith.index_cast %add3A_1 : i32 to index
    %get3A_2 = memref.load %arg1[%get3A] : memref<320xi32, #tpu.memory_space<smem>>
    %jit3A = arith.constant 128 : i32
    %div3A = arith.divsi %get3A_2, %jit3A : i32
    %sign3A = arith.constant 0 : i32
    %sign3A_3 = arith.cmpi sgt, %get3A_2, %sign3A : i32
    %sign3A_4 = arith.extui %sign3A_3 : i1 to i32
    %sign3A_5 = arith.constant 0 : i32
    %sign3A_6 = arith.cmpi slt, %get3A_2, %sign3A_5 : i32
    %sign3A_7 = arith.extui %sign3A_6 : i1 to i32
    %sign3A_8 = arith.subi %sign3A_4, %sign3A_7 : i32
    %sign3A_9 = arith.constant 0 : i32
    %sign3A_10 = arith.cmpi sgt, %jit3A, %sign3A_9 : i32
    %sign3A_11 = arith.extui %sign3A_10 : i1 to i32
    %sign3A_12 = arith.constant 0 : i32
    %sign3A_13 = arith.cmpi slt, %jit3A, %sign3A_12 : i32
    %sign3A_14 = arith.extui %sign3A_13 : i1 to i32
    %sign3A_15 = arith.subi %sign3A_11, %sign3A_14 : i32
    %ne3A = arith.cmpi ne, %sign3A_8, %sign3A_15 : i32
    %rem3A = arith.remsi %get3A_2, %jit3A : i32
    %ne3A_16 = arith.constant 0 : i32
    %ne3A_17 = arith.cmpi ne, %rem3A, %ne3A_16 : i32
    %and3A = arith.andi %ne3A, %ne3A_17 : i1
    %sub3A = arith.constant 1 : i32
    %sub3A_18 = arith.subi %div3A, %sub3A : i32
    %select_n3A = arith.select %and3A, %sub3A_18, %div3A : i32
    %c0_i32 = arith.constant 0 : i32
    %c0_i32_19 = arith.constant 0 : i32
    return %c0_i32, %select_n3A : i32, i32
  }
  func.func @transform_17(%arg0: i32, %arg1: memref<320xi32, #tpu.memory_space<smem>>) -> (i32, i32) {
    %mul3A = arith.constant 16 : i32
    %mul3A_0 = arith.muli %arg0, %mul3A : i32
    %add3A = arith.constant 1 : i32
    %add3A_1 = arith.addi %mul3A_0, %add3A : i32
    %get3A = arith.index_cast %add3A_1 : i32 to index
    %get3A_2 = memref.load %arg1[%get3A] : memref<320xi32, #tpu.memory_space<smem>>
    %jit3A = arith.constant 128 : i32
    %div3A = arith.divsi %get3A_2, %jit3A : i32
    %sign3A = arith.constant 0 : i32
    %sign3A_3 = arith.cmpi sgt, %get3A_2, %sign3A : i32
    %sign3A_4 = arith.extui %sign3A_3 : i1 to i32
    %sign3A_5 = arith.constant 0 : i32
    %sign3A_6 = arith.cmpi slt, %get3A_2, %sign3A_5 : i32
    %sign3A_7 = arith.extui %sign3A_6 : i1 to i32
    %sign3A_8 = arith.subi %sign3A_4, %sign3A_7 : i32
    %sign3A_9 = arith.constant 0 : i32
    %sign3A_10 = arith.cmpi sgt, %jit3A, %sign3A_9 : i32
    %sign3A_11 = arith.extui %sign3A_10 : i1 to i32
    %sign3A_12 = arith.constant 0 : i32
    %sign3A_13 = arith.cmpi slt, %jit3A, %sign3A_12 : i32
    %sign3A_14 = arith.extui %sign3A_13 : i1 to i32
    %sign3A_15 = arith.subi %sign3A_11, %sign3A_14 : i32
    %ne3A = arith.cmpi ne, %sign3A_8, %sign3A_15 : i32
    %rem3A = arith.remsi %get3A_2, %jit3A : i32
    %ne3A_16 = arith.constant 0 : i32
    %ne3A_17 = arith.cmpi ne, %rem3A, %ne3A_16 : i32
    %and3A = arith.andi %ne3A, %ne3A_17 : i1
    %sub3A = arith.constant 1 : i32
    %sub3A_18 = arith.subi %div3A, %sub3A : i32
    %select_n3A = arith.select %and3A, %sub3A_18, %div3A : i32
    %c0_i32 = arith.constant 0 : i32
    %c0_i32_19 = arith.constant 0 : i32
    return %c0_i32, %select_n3A : i32, i32
  }
  func.func @transform_18(%arg0: i32, %arg1: memref<320xi32, #tpu.memory_space<smem>>) -> (i32, i32) {
    %mul3A = arith.constant 16 : i32
    %mul3A_0 = arith.muli %arg0, %mul3A : i32
    %add3A = arith.constant 2 : i32
    %add3A_1 = arith.addi %mul3A_0, %add3A : i32
    %get3A = arith.index_cast %add3A_1 : i32 to index
    %get3A_2 = memref.load %arg1[%get3A] : memref<320xi32, #tpu.memory_space<smem>>
    %jit3A = arith.constant 128 : i32
    %div3A = arith.divsi %get3A_2, %jit3A : i32
    %sign3A = arith.constant 0 : i32
    %sign3A_3 = arith.cmpi sgt, %get3A_2, %sign3A : i32
    %sign3A_4 = arith.extui %sign3A_3 : i1 to i32
    %sign3A_5 = arith.constant 0 : i32
    %sign3A_6 = arith.cmpi slt, %get3A_2, %sign3A_5 : i32
    %sign3A_7 = arith.extui %sign3A_6 : i1 to i32
    %sign3A_8 = arith.subi %sign3A_4, %sign3A_7 : i32
    %sign3A_9 = arith.constant 0 : i32
    %sign3A_10 = arith.cmpi sgt, %jit3A, %sign3A_9 : i32
    %sign3A_11 = arith.extui %sign3A_10 : i1 to i32
    %sign3A_12 = arith.constant 0 : i32
    %sign3A_13 = arith.cmpi slt, %jit3A, %sign3A_12 : i32
    %sign3A_14 = arith.extui %sign3A_13 : i1 to i32
    %sign3A_15 = arith.subi %sign3A_11, %sign3A_14 : i32
    %ne3A = arith.cmpi ne, %sign3A_8, %sign3A_15 : i32
    %rem3A = arith.remsi %get3A_2, %jit3A : i32
    %ne3A_16 = arith.constant 0 : i32
    %ne3A_17 = arith.cmpi ne, %rem3A, %ne3A_16 : i32
    %and3A = arith.andi %ne3A, %ne3A_17 : i1
    %sub3A = arith.constant 1 : i32
    %sub3A_18 = arith.subi %div3A, %sub3A : i32
    %select_n3A = arith.select %and3A, %sub3A_18, %div3A : i32
    %c0_i32 = arith.constant 0 : i32
    %c0_i32_19 = arith.constant 0 : i32
    return %c0_i32, %select_n3A : i32, i32
  }
  func.func @transform_19(%arg0: i32, %arg1: memref<320xi32, #tpu.memory_space<smem>>) -> (i32, i32) {
    %mul3A = arith.constant 16 : i32
    %mul3A_0 = arith.muli %arg0, %mul3A : i32
    %add3A = arith.constant 3 : i32
    %add3A_1 = arith.addi %mul3A_0, %add3A : i32
    %get3A = arith.index_cast %add3A_1 : i32 to index
    %get3A_2 = memref.load %arg1[%get3A] : memref<320xi32, #tpu.memory_space<smem>>
    %jit3A = arith.constant 128 : i32
    %div3A = arith.divsi %get3A_2, %jit3A : i32
    %sign3A = arith.constant 0 : i32
    %sign3A_3 = arith.cmpi sgt, %get3A_2, %sign3A : i32
    %sign3A_4 = arith.extui %sign3A_3 : i1 to i32
    %sign3A_5 = arith.constant 0 : i32
    %sign3A_6 = arith.cmpi slt, %get3A_2, %sign3A_5 : i32
    %sign3A_7 = arith.extui %sign3A_6 : i1 to i32
    %sign3A_8 = arith.subi %sign3A_4, %sign3A_7 : i32
    %sign3A_9 = arith.constant 0 : i32
    %sign3A_10 = arith.cmpi sgt, %jit3A, %sign3A_9 : i32
    %sign3A_11 = arith.extui %sign3A_10 : i1 to i32
    %sign3A_12 = arith.constant 0 : i32
    %sign3A_13 = arith.cmpi slt, %jit3A, %sign3A_12 : i32
    %sign3A_14 = arith.extui %sign3A_13 : i1 to i32
    %sign3A_15 = arith.subi %sign3A_11, %sign3A_14 : i32
    %ne3A = arith.cmpi ne, %sign3A_8, %sign3A_15 : i32
    %rem3A = arith.remsi %get3A_2, %jit3A : i32
    %ne3A_16 = arith.constant 0 : i32
    %ne3A_17 = arith.cmpi ne, %rem3A, %ne3A_16 : i32
    %and3A = arith.andi %ne3A, %ne3A_17 : i1
    %sub3A = arith.constant 1 : i32
    %sub3A_18 = arith.subi %div3A, %sub3A : i32
    %select_n3A = arith.select %and3A, %sub3A_18, %div3A : i32
    %c0_i32 = arith.constant 0 : i32
    %c0_i32_19 = arith.constant 0 : i32
    return %c0_i32, %select_n3A : i32, i32
  }
  func.func @transform_20(%arg0: i32, %arg1: memref<320xi32, #tpu.memory_space<smem>>) -> (i32, i32) {
    %mul3A = arith.constant 16 : i32
    %mul3A_0 = arith.muli %arg0, %mul3A : i32
    %add3A = arith.constant 4 : i32
    %add3A_1 = arith.addi %mul3A_0, %add3A : i32
    %get3A = arith.index_cast %add3A_1 : i32 to index
    %get3A_2 = memref.load %arg1[%get3A] : memref<320xi32, #tpu.memory_space<smem>>
    %jit3A = arith.constant 128 : i32
    %div3A = arith.divsi %get3A_2, %jit3A : i32
    %sign3A = arith.constant 0 : i32
    %sign3A_3 = arith.cmpi sgt, %get3A_2, %sign3A : i32
    %sign3A_4 = arith.extui %sign3A_3 : i1 to i32
    %sign3A_5 = arith.constant 0 : i32
    %sign3A_6 = arith.cmpi slt, %get3A_2, %sign3A_5 : i32
    %sign3A_7 = arith.extui %sign3A_6 : i1 to i32
    %sign3A_8 = arith.subi %sign3A_4, %sign3A_7 : i32
    %sign3A_9 = arith.constant 0 : i32
    %sign3A_10 = arith.cmpi sgt, %jit3A, %sign3A_9 : i32
    %sign3A_11 = arith.extui %sign3A_10 : i1 to i32
    %sign3A_12 = arith.constant 0 : i32
    %sign3A_13 = arith.cmpi slt, %jit3A, %sign3A_12 : i32
    %sign3A_14 = arith.extui %sign3A_13 : i1 to i32
    %sign3A_15 = arith.subi %sign3A_11, %sign3A_14 : i32
    %ne3A = arith.cmpi ne, %sign3A_8, %sign3A_15 : i32
    %rem3A = arith.remsi %get3A_2, %jit3A : i32
    %ne3A_16 = arith.constant 0 : i32
    %ne3A_17 = arith.cmpi ne, %rem3A, %ne3A_16 : i32
    %and3A = arith.andi %ne3A, %ne3A_17 : i1
    %sub3A = arith.constant 1 : i32
    %sub3A_18 = arith.subi %div3A, %sub3A : i32
    %select_n3A = arith.select %and3A, %sub3A_18, %div3A : i32
    %c0_i32 = arith.constant 0 : i32
    %c0_i32_19 = arith.constant 0 : i32
    return %c0_i32, %select_n3A : i32, i32
  }
  func.func @transform_21(%arg0: i32, %arg1: memref<320xi32, #tpu.memory_space<smem>>) -> (i32, i32) {
    %mul3A = arith.constant 16 : i32
    %mul3A_0 = arith.muli %arg0, %mul3A : i32
    %add3A = arith.constant 5 : i32
    %add3A_1 = arith.addi %mul3A_0, %add3A : i32
    %get3A = arith.index_cast %add3A_1 : i32 to index
    %get3A_2 = memref.load %arg1[%get3A] : memref<320xi32, #tpu.memory_space<smem>>
    %jit3A = arith.constant 128 : i32
    %div3A = arith.divsi %get3A_2, %jit3A : i32
    %sign3A = arith.constant 0 : i32
    %sign3A_3 = arith.cmpi sgt, %get3A_2, %sign3A : i32
    %sign3A_4 = arith.extui %sign3A_3 : i1 to i32
    %sign3A_5 = arith.constant 0 : i32
    %sign3A_6 = arith.cmpi slt, %get3A_2, %sign3A_5 : i32
    %sign3A_7 = arith.extui %sign3A_6 : i1 to i32
    %sign3A_8 = arith.subi %sign3A_4, %sign3A_7 : i32
    %sign3A_9 = arith.constant 0 : i32
    %sign3A_10 = arith.cmpi sgt, %jit3A, %sign3A_9 : i32
    %sign3A_11 = arith.extui %sign3A_10 : i1 to i32
    %sign3A_12 = arith.constant 0 : i32
    %sign3A_13 = arith.cmpi slt, %jit3A, %sign3A_12 : i32
    %sign3A_14 = arith.extui %sign3A_13 : i1 to i32
    %sign3A_15 = arith.subi %sign3A_11, %sign3A_14 : i32
    %ne3A = arith.cmpi ne, %sign3A_8, %sign3A_15 : i32
    %rem3A = arith.remsi %get3A_2, %jit3A : i32
    %ne3A_16 = arith.constant 0 : i32
    %ne3A_17 = arith.cmpi ne, %rem3A, %ne3A_16 : i32
    %and3A = arith.andi %ne3A, %ne3A_17 : i1
    %sub3A = arith.constant 1 : i32
    %sub3A_18 = arith.subi %div3A, %sub3A : i32
    %select_n3A = arith.select %and3A, %sub3A_18, %div3A : i32
    %c0_i32 = arith.constant 0 : i32
    %c0_i32_19 = arith.constant 0 : i32
    return %c0_i32, %select_n3A : i32, i32
  }
  func.func @transform_22(%arg0: i32, %arg1: memref<320xi32, #tpu.memory_space<smem>>) -> (i32, i32) {
    %mul3A = arith.constant 16 : i32
    %mul3A_0 = arith.muli %arg0, %mul3A : i32
    %add3A = arith.constant 6 : i32
    %add3A_1 = arith.addi %mul3A_0, %add3A : i32
    %get3A = arith.index_cast %add3A_1 : i32 to index
    %get3A_2 = memref.load %arg1[%get3A] : memref<320xi32, #tpu.memory_space<smem>>
    %jit3A = arith.constant 128 : i32
    %div3A = arith.divsi %get3A_2, %jit3A : i32
    %sign3A = arith.constant 0 : i32
    %sign3A_3 = arith.cmpi sgt, %get3A_2, %sign3A : i32
    %sign3A_4 = arith.extui %sign3A_3 : i1 to i32
    %sign3A_5 = arith.constant 0 : i32
    %sign3A_6 = arith.cmpi slt, %get3A_2, %sign3A_5 : i32
    %sign3A_7 = arith.extui %sign3A_6 : i1 to i32
    %sign3A_8 = arith.subi %sign3A_4, %sign3A_7 : i32
    %sign3A_9 = arith.constant 0 : i32
    %sign3A_10 = arith.cmpi sgt, %jit3A, %sign3A_9 : i32
    %sign3A_11 = arith.extui %sign3A_10 : i1 to i32
    %sign3A_12 = arith.constant 0 : i32
    %sign3A_13 = arith.cmpi slt, %jit3A, %sign3A_12 : i32
    %sign3A_14 = arith.extui %sign3A_13 : i1 to i32
    %sign3A_15 = arith.subi %sign3A_11, %sign3A_14 : i32
    %ne3A = arith.cmpi ne, %sign3A_8, %sign3A_15 : i32
    %rem3A = arith.remsi %get3A_2, %jit3A : i32
    %ne3A_16 = arith.constant 0 : i32
    %ne3A_17 = arith.cmpi ne, %rem3A, %ne3A_16 : i32
    %and3A = arith.andi %ne3A, %ne3A_17 : i1
    %sub3A = arith.constant 1 : i32
    %sub3A_18 = arith.subi %div3A, %sub3A : i32
    %select_n3A = arith.select %and3A, %sub3A_18, %div3A : i32
    %c0_i32 = arith.constant 0 : i32
    %c0_i32_19 = arith.constant 0 : i32
    return %c0_i32, %select_n3A : i32, i32
  }
  func.func @transform_23(%arg0: i32, %arg1: memref<320xi32, #tpu.memory_space<smem>>) -> (i32, i32) {
    %mul3A = arith.constant 16 : i32
    %mul3A_0 = arith.muli %arg0, %mul3A : i32
    %add3A = arith.constant 7 : i32
    %add3A_1 = arith.addi %mul3A_0, %add3A : i32
    %get3A = arith.index_cast %add3A_1 : i32 to index
    %get3A_2 = memref.load %arg1[%get3A] : memref<320xi32, #tpu.memory_space<smem>>
    %jit3A = arith.constant 128 : i32
    %div3A = arith.divsi %get3A_2, %jit3A : i32
    %sign3A = arith.constant 0 : i32
    %sign3A_3 = arith.cmpi sgt, %get3A_2, %sign3A : i32
    %sign3A_4 = arith.extui %sign3A_3 : i1 to i32
    %sign3A_5 = arith.constant 0 : i32
    %sign3A_6 = arith.cmpi slt, %get3A_2, %sign3A_5 : i32
    %sign3A_7 = arith.extui %sign3A_6 : i1 to i32
    %sign3A_8 = arith.subi %sign3A_4, %sign3A_7 : i32
    %sign3A_9 = arith.constant 0 : i32
    %sign3A_10 = arith.cmpi sgt, %jit3A, %sign3A_9 : i32
    %sign3A_11 = arith.extui %sign3A_10 : i1 to i32
    %sign3A_12 = arith.constant 0 : i32
    %sign3A_13 = arith.cmpi slt, %jit3A, %sign3A_12 : i32
    %sign3A_14 = arith.extui %sign3A_13 : i1 to i32
    %sign3A_15 = arith.subi %sign3A_11, %sign3A_14 : i32
    %ne3A = arith.cmpi ne, %sign3A_8, %sign3A_15 : i32
    %rem3A = arith.remsi %get3A_2, %jit3A : i32
    %ne3A_16 = arith.constant 0 : i32
    %ne3A_17 = arith.cmpi ne, %rem3A, %ne3A_16 : i32
    %and3A = arith.andi %ne3A, %ne3A_17 : i1
    %sub3A = arith.constant 1 : i32
    %sub3A_18 = arith.subi %div3A, %sub3A : i32
    %select_n3A = arith.select %and3A, %sub3A_18, %div3A : i32
    %c0_i32 = arith.constant 0 : i32
    %c0_i32_19 = arith.constant 0 : i32
    return %c0_i32, %select_n3A : i32, i32
  }
  func.func @transform_24(%arg0: i32, %arg1: memref<320xi32, #tpu.memory_space<smem>>) -> (i32, i32) {
    %mul3A = arith.constant 16 : i32
    %mul3A_0 = arith.muli %arg0, %mul3A : i32
    %add3A = arith.constant 8 : i32
    %add3A_1 = arith.addi %mul3A_0, %add3A : i32
    %get3A = arith.index_cast %add3A_1 : i32 to index
    %get3A_2 = memref.load %arg1[%get3A] : memref<320xi32, #tpu.memory_space<smem>>
    %jit3A = arith.constant 128 : i32
    %div3A = arith.divsi %get3A_2, %jit3A : i32
    %sign3A = arith.constant 0 : i32
    %sign3A_3 = arith.cmpi sgt, %get3A_2, %sign3A : i32
    %sign3A_4 = arith.extui %sign3A_3 : i1 to i32
    %sign3A_5 = arith.constant 0 : i32
    %sign3A_6 = arith.cmpi slt, %get3A_2, %sign3A_5 : i32
    %sign3A_7 = arith.extui %sign3A_6 : i1 to i32
    %sign3A_8 = arith.subi %sign3A_4, %sign3A_7 : i32
    %sign3A_9 = arith.constant 0 : i32
    %sign3A_10 = arith.cmpi sgt, %jit3A, %sign3A_9 : i32
    %sign3A_11 = arith.extui %sign3A_10 : i1 to i32
    %sign3A_12 = arith.constant 0 : i32
    %sign3A_13 = arith.cmpi slt, %jit3A, %sign3A_12 : i32
    %sign3A_14 = arith.extui %sign3A_13 : i1 to i32
    %sign3A_15 = arith.subi %sign3A_11, %sign3A_14 : i32
    %ne3A = arith.cmpi ne, %sign3A_8, %sign3A_15 : i32
    %rem3A = arith.remsi %get3A_2, %jit3A : i32
    %ne3A_16 = arith.constant 0 : i32
    %ne3A_17 = arith.cmpi ne, %rem3A, %ne3A_16 : i32
    %and3A = arith.andi %ne3A, %ne3A_17 : i1
    %sub3A = arith.constant 1 : i32
    %sub3A_18 = arith.subi %div3A, %sub3A : i32
    %select_n3A = arith.select %and3A, %sub3A_18, %div3A : i32
    %c0_i32 = arith.constant 0 : i32
    %c0_i32_19 = arith.constant 0 : i32
    return %c0_i32, %select_n3A : i32, i32
  }
  func.func @transform_25(%arg0: i32, %arg1: memref<320xi32, #tpu.memory_space<smem>>) -> (i32, i32) {
    %mul3A = arith.constant 16 : i32
    %mul3A_0 = arith.muli %arg0, %mul3A : i32
    %add3A = arith.constant 9 : i32
    %add3A_1 = arith.addi %mul3A_0, %add3A : i32
    %get3A = arith.index_cast %add3A_1 : i32 to index
    %get3A_2 = memref.load %arg1[%get3A] : memref<320xi32, #tpu.memory_space<smem>>
    %jit3A = arith.constant 128 : i32
    %div3A = arith.divsi %get3A_2, %jit3A : i32
    %sign3A = arith.constant 0 : i32
    %sign3A_3 = arith.cmpi sgt, %get3A_2, %sign3A : i32
    %sign3A_4 = arith.extui %sign3A_3 : i1 to i32
    %sign3A_5 = arith.constant 0 : i32
    %sign3A_6 = arith.cmpi slt, %get3A_2, %sign3A_5 : i32
    %sign3A_7 = arith.extui %sign3A_6 : i1 to i32
    %sign3A_8 = arith.subi %sign3A_4, %sign3A_7 : i32
    %sign3A_9 = arith.constant 0 : i32
    %sign3A_10 = arith.cmpi sgt, %jit3A, %sign3A_9 : i32
    %sign3A_11 = arith.extui %sign3A_10 : i1 to i32
    %sign3A_12 = arith.constant 0 : i32
    %sign3A_13 = arith.cmpi slt, %jit3A, %sign3A_12 : i32
    %sign3A_14 = arith.extui %sign3A_13 : i1 to i32
    %sign3A_15 = arith.subi %sign3A_11, %sign3A_14 : i32
    %ne3A = arith.cmpi ne, %sign3A_8, %sign3A_15 : i32
    %rem3A = arith.remsi %get3A_2, %jit3A : i32
    %ne3A_16 = arith.constant 0 : i32
    %ne3A_17 = arith.cmpi ne, %rem3A, %ne3A_16 : i32
    %and3A = arith.andi %ne3A, %ne3A_17 : i1
    %sub3A = arith.constant 1 : i32
    %sub3A_18 = arith.subi %div3A, %sub3A : i32
    %select_n3A = arith.select %and3A, %sub3A_18, %div3A : i32
    %c0_i32 = arith.constant 0 : i32
    %c0_i32_19 = arith.constant 0 : i32
    return %c0_i32, %select_n3A : i32, i32
  }
  func.func @transform_26(%arg0: i32, %arg1: memref<320xi32, #tpu.memory_space<smem>>) -> (i32, i32) {
    %mul3A = arith.constant 16 : i32
    %mul3A_0 = arith.muli %arg0, %mul3A : i32
    %add3A = arith.constant 10 : i32
    %add3A_1 = arith.addi %mul3A_0, %add3A : i32
    %get3A = arith.index_cast %add3A_1 : i32 to index
    %get3A_2 = memref.load %arg1[%get3A] : memref<320xi32, #tpu.memory_space<smem>>
    %jit3A = arith.constant 128 : i32
    %div3A = arith.divsi %get3A_2, %jit3A : i32
    %sign3A = arith.constant 0 : i32
    %sign3A_3 = arith.cmpi sgt, %get3A_2, %sign3A : i32
    %sign3A_4 = arith.extui %sign3A_3 : i1 to i32
    %sign3A_5 = arith.constant 0 : i32
    %sign3A_6 = arith.cmpi slt, %get3A_2, %sign3A_5 : i32
    %sign3A_7 = arith.extui %sign3A_6 : i1 to i32
    %sign3A_8 = arith.subi %sign3A_4, %sign3A_7 : i32
    %sign3A_9 = arith.constant 0 : i32
    %sign3A_10 = arith.cmpi sgt, %jit3A, %sign3A_9 : i32
    %sign3A_11 = arith.extui %sign3A_10 : i1 to i32
    %sign3A_12 = arith.constant 0 : i32
    %sign3A_13 = arith.cmpi slt, %jit3A, %sign3A_12 : i32
    %sign3A_14 = arith.extui %sign3A_13 : i1 to i32
    %sign3A_15 = arith.subi %sign3A_11, %sign3A_14 : i32
    %ne3A = arith.cmpi ne, %sign3A_8, %sign3A_15 : i32
    %rem3A = arith.remsi %get3A_2, %jit3A : i32
    %ne3A_16 = arith.constant 0 : i32
    %ne3A_17 = arith.cmpi ne, %rem3A, %ne3A_16 : i32
    %and3A = arith.andi %ne3A, %ne3A_17 : i1
    %sub3A = arith.constant 1 : i32
    %sub3A_18 = arith.subi %div3A, %sub3A : i32
    %select_n3A = arith.select %and3A, %sub3A_18, %div3A : i32
    %c0_i32 = arith.constant 0 : i32
    %c0_i32_19 = arith.constant 0 : i32
    return %c0_i32, %select_n3A : i32, i32
  }
  func.func @transform_27(%arg0: i32, %arg1: memref<320xi32, #tpu.memory_space<smem>>) -> (i32, i32) {
    %mul3A = arith.constant 16 : i32
    %mul3A_0 = arith.muli %arg0, %mul3A : i32
    %add3A = arith.constant 11 : i32
    %add3A_1 = arith.addi %mul3A_0, %add3A : i32
    %get3A = arith.index_cast %add3A_1 : i32 to index
    %get3A_2 = memref.load %arg1[%get3A] : memref<320xi32, #tpu.memory_space<smem>>
    %jit3A = arith.constant 128 : i32
    %div3A = arith.divsi %get3A_2, %jit3A : i32
    %sign3A = arith.constant 0 : i32
    %sign3A_3 = arith.cmpi sgt, %get3A_2, %sign3A : i32
    %sign3A_4 = arith.extui %sign3A_3 : i1 to i32
    %sign3A_5 = arith.constant 0 : i32
    %sign3A_6 = arith.cmpi slt, %get3A_2, %sign3A_5 : i32
    %sign3A_7 = arith.extui %sign3A_6 : i1 to i32
    %sign3A_8 = arith.subi %sign3A_4, %sign3A_7 : i32
    %sign3A_9 = arith.constant 0 : i32
    %sign3A_10 = arith.cmpi sgt, %jit3A, %sign3A_9 : i32
    %sign3A_11 = arith.extui %sign3A_10 : i1 to i32
    %sign3A_12 = arith.constant 0 : i32
    %sign3A_13 = arith.cmpi slt, %jit3A, %sign3A_12 : i32
    %sign3A_14 = arith.extui %sign3A_13 : i1 to i32
    %sign3A_15 = arith.subi %sign3A_11, %sign3A_14 : i32
    %ne3A = arith.cmpi ne, %sign3A_8, %sign3A_15 : i32
    %rem3A = arith.remsi %get3A_2, %jit3A : i32
    %ne3A_16 = arith.constant 0 : i32
    %ne3A_17 = arith.cmpi ne, %rem3A, %ne3A_16 : i32
    %and3A = arith.andi %ne3A, %ne3A_17 : i1
    %sub3A = arith.constant 1 : i32
    %sub3A_18 = arith.subi %div3A, %sub3A : i32
    %select_n3A = arith.select %and3A, %sub3A_18, %div3A : i32
    %c0_i32 = arith.constant 0 : i32
    %c0_i32_19 = arith.constant 0 : i32
    return %c0_i32, %select_n3A : i32, i32
  }
  func.func @transform_28(%arg0: i32, %arg1: memref<320xi32, #tpu.memory_space<smem>>) -> (i32, i32) {
    %mul3A = arith.constant 16 : i32
    %mul3A_0 = arith.muli %arg0, %mul3A : i32
    %add3A = arith.constant 12 : i32
    %add3A_1 = arith.addi %mul3A_0, %add3A : i32
    %get3A = arith.index_cast %add3A_1 : i32 to index
    %get3A_2 = memref.load %arg1[%get3A] : memref<320xi32, #tpu.memory_space<smem>>
    %jit3A = arith.constant 128 : i32
    %div3A = arith.divsi %get3A_2, %jit3A : i32
    %sign3A = arith.constant 0 : i32
    %sign3A_3 = arith.cmpi sgt, %get3A_2, %sign3A : i32
    %sign3A_4 = arith.extui %sign3A_3 : i1 to i32
    %sign3A_5 = arith.constant 0 : i32
    %sign3A_6 = arith.cmpi slt, %get3A_2, %sign3A_5 : i32
    %sign3A_7 = arith.extui %sign3A_6 : i1 to i32
    %sign3A_8 = arith.subi %sign3A_4, %sign3A_7 : i32
    %sign3A_9 = arith.constant 0 : i32
    %sign3A_10 = arith.cmpi sgt, %jit3A, %sign3A_9 : i32
    %sign3A_11 = arith.extui %sign3A_10 : i1 to i32
    %sign3A_12 = arith.constant 0 : i32
    %sign3A_13 = arith.cmpi slt, %jit3A, %sign3A_12 : i32
    %sign3A_14 = arith.extui %sign3A_13 : i1 to i32
    %sign3A_15 = arith.subi %sign3A_11, %sign3A_14 : i32
    %ne3A = arith.cmpi ne, %sign3A_8, %sign3A_15 : i32
    %rem3A = arith.remsi %get3A_2, %jit3A : i32
    %ne3A_16 = arith.constant 0 : i32
    %ne3A_17 = arith.cmpi ne, %rem3A, %ne3A_16 : i32
    %and3A = arith.andi %ne3A, %ne3A_17 : i1
    %sub3A = arith.constant 1 : i32
    %sub3A_18 = arith.subi %div3A, %sub3A : i32
    %select_n3A = arith.select %and3A, %sub3A_18, %div3A : i32
    %c0_i32 = arith.constant 0 : i32
    %c0_i32_19 = arith.constant 0 : i32
    return %c0_i32, %select_n3A : i32, i32
  }
  func.func @transform_29(%arg0: i32, %arg1: memref<320xi32, #tpu.memory_space<smem>>) -> (i32, i32) {
    %mul3A = arith.constant 16 : i32
    %mul3A_0 = arith.muli %arg0, %mul3A : i32
    %add3A = arith.constant 13 : i32
    %add3A_1 = arith.addi %mul3A_0, %add3A : i32
    %get3A = arith.index_cast %add3A_1 : i32 to index
    %get3A_2 = memref.load %arg1[%get3A] : memref<320xi32, #tpu.memory_space<smem>>
    %jit3A = arith.constant 128 : i32
    %div3A = arith.divsi %get3A_2, %jit3A : i32
    %sign3A = arith.constant 0 : i32
    %sign3A_3 = arith.cmpi sgt, %get3A_2, %sign3A : i32
    %sign3A_4 = arith.extui %sign3A_3 : i1 to i32
    %sign3A_5 = arith.constant 0 : i32
    %sign3A_6 = arith.cmpi slt, %get3A_2, %sign3A_5 : i32
    %sign3A_7 = arith.extui %sign3A_6 : i1 to i32
    %sign3A_8 = arith.subi %sign3A_4, %sign3A_7 : i32
    %sign3A_9 = arith.constant 0 : i32
    %sign3A_10 = arith.cmpi sgt, %jit3A, %sign3A_9 : i32
    %sign3A_11 = arith.extui %sign3A_10 : i1 to i32
    %sign3A_12 = arith.constant 0 : i32
    %sign3A_13 = arith.cmpi slt, %jit3A, %sign3A_12 : i32
    %sign3A_14 = arith.extui %sign3A_13 : i1 to i32
    %sign3A_15 = arith.subi %sign3A_11, %sign3A_14 : i32
    %ne3A = arith.cmpi ne, %sign3A_8, %sign3A_15 : i32
    %rem3A = arith.remsi %get3A_2, %jit3A : i32
    %ne3A_16 = arith.constant 0 : i32
    %ne3A_17 = arith.cmpi ne, %rem3A, %ne3A_16 : i32
    %and3A = arith.andi %ne3A, %ne3A_17 : i1
    %sub3A = arith.constant 1 : i32
    %sub3A_18 = arith.subi %div3A, %sub3A : i32
    %select_n3A = arith.select %and3A, %sub3A_18, %div3A : i32
    %c0_i32 = arith.constant 0 : i32
    %c0_i32_19 = arith.constant 0 : i32
    return %c0_i32, %select_n3A : i32, i32
  }
  func.func @transform_30(%arg0: i32, %arg1: memref<320xi32, #tpu.memory_space<smem>>) -> (i32, i32) {
    %mul3A = arith.constant 16 : i32
    %mul3A_0 = arith.muli %arg0, %mul3A : i32
    %add3A = arith.constant 14 : i32
    %add3A_1 = arith.addi %mul3A_0, %add3A : i32
    %get3A = arith.index_cast %add3A_1 : i32 to index
    %get3A_2 = memref.load %arg1[%get3A] : memref<320xi32, #tpu.memory_space<smem>>
    %jit3A = arith.constant 128 : i32
    %div3A = arith.divsi %get3A_2, %jit3A : i32
    %sign3A = arith.constant 0 : i32
    %sign3A_3 = arith.cmpi sgt, %get3A_2, %sign3A : i32
    %sign3A_4 = arith.extui %sign3A_3 : i1 to i32
    %sign3A_5 = arith.constant 0 : i32
    %sign3A_6 = arith.cmpi slt, %get3A_2, %sign3A_5 : i32
    %sign3A_7 = arith.extui %sign3A_6 : i1 to i32
    %sign3A_8 = arith.subi %sign3A_4, %sign3A_7 : i32
    %sign3A_9 = arith.constant 0 : i32
    %sign3A_10 = arith.cmpi sgt, %jit3A, %sign3A_9 : i32
    %sign3A_11 = arith.extui %sign3A_10 : i1 to i32
    %sign3A_12 = arith.constant 0 : i32
    %sign3A_13 = arith.cmpi slt, %jit3A, %sign3A_12 : i32
    %sign3A_14 = arith.extui %sign3A_13 : i1 to i32
    %sign3A_15 = arith.subi %sign3A_11, %sign3A_14 : i32
    %ne3A = arith.cmpi ne, %sign3A_8, %sign3A_15 : i32
    %rem3A = arith.remsi %get3A_2, %jit3A : i32
    %ne3A_16 = arith.constant 0 : i32
    %ne3A_17 = arith.cmpi ne, %rem3A, %ne3A_16 : i32
    %and3A = arith.andi %ne3A, %ne3A_17 : i1
    %sub3A = arith.constant 1 : i32
    %sub3A_18 = arith.subi %div3A, %sub3A : i32
    %select_n3A = arith.select %and3A, %sub3A_18, %div3A : i32
    %c0_i32 = arith.constant 0 : i32
    %c0_i32_19 = arith.constant 0 : i32
    return %c0_i32, %select_n3A : i32, i32
  }
  func.func @transform_31(%arg0: i32, %arg1: memref<320xi32, #tpu.memory_space<smem>>) -> (i32, i32) {
    %mul3A = arith.constant 16 : i32
    %mul3A_0 = arith.muli %arg0, %mul3A : i32
    %add3A = arith.constant 15 : i32
    %add3A_1 = arith.addi %mul3A_0, %add3A : i32
    %get3A = arith.index_cast %add3A_1 : i32 to index
    %get3A_2 = memref.load %arg1[%get3A] : memref<320xi32, #tpu.memory_space<smem>>
    %jit3A = arith.constant 128 : i32
    %div3A = arith.divsi %get3A_2, %jit3A : i32
    %sign3A = arith.constant 0 : i32
    %sign3A_3 = arith.cmpi sgt, %get3A_2, %sign3A : i32
    %sign3A_4 = arith.extui %sign3A_3 : i1 to i32
    %sign3A_5 = arith.constant 0 : i32
    %sign3A_6 = arith.cmpi slt, %get3A_2, %sign3A_5 : i32
    %sign3A_7 = arith.extui %sign3A_6 : i1 to i32
    %sign3A_8 = arith.subi %sign3A_4, %sign3A_7 : i32
    %sign3A_9 = arith.constant 0 : i32
    %sign3A_10 = arith.cmpi sgt, %jit3A, %sign3A_9 : i32
    %sign3A_11 = arith.extui %sign3A_10 : i1 to i32
    %sign3A_12 = arith.constant 0 : i32
    %sign3A_13 = arith.cmpi slt, %jit3A, %sign3A_12 : i32
    %sign3A_14 = arith.extui %sign3A_13 : i1 to i32
    %sign3A_15 = arith.subi %sign3A_11, %sign3A_14 : i32
    %ne3A = arith.cmpi ne, %sign3A_8, %sign3A_15 : i32
    %rem3A = arith.remsi %get3A_2, %jit3A : i32
    %ne3A_16 = arith.constant 0 : i32
    %ne3A_17 = arith.cmpi ne, %rem3A, %ne3A_16 : i32
    %and3A = arith.andi %ne3A, %ne3A_17 : i1
    %sub3A = arith.constant 1 : i32
    %sub3A_18 = arith.subi %div3A, %sub3A : i32
    %select_n3A = arith.select %and3A, %sub3A_18, %div3A : i32
    %c0_i32 = arith.constant 0 : i32
    %c0_i32_19 = arith.constant 0 : i32
    return %c0_i32, %select_n3A : i32, i32
  }
  func.func @transform_32(%arg0: i32, %arg1: memref<320xi32, #tpu.memory_space<smem>>) -> (i32, i32) {
    %c0_i32 = arith.constant 0 : i32
    %c0_i32_0 = arith.constant 0 : i32
    return %arg0, %c0_i32 : i32, i32
  }
  func.func @transform_33(%arg0: i32, %arg1: memref<320xi32, #tpu.memory_space<smem>>) -> (i32, i32) {
    %c0_i32 = arith.constant 0 : i32
    %c0_i32_0 = arith.constant 0 : i32
    return %arg0, %c0_i32 : i32, i32
  }
}

</mosaic_0001>

<sc_bundles>
// kernel: kernel.5.cloned.1.call-start
scs
__scs_entry_jumppad:
0x0: {  	(pc) =	sbr.rel $0x88, $3  }
0x1: {  	(tag) =	ssettag $0x0;
	lr =	simm.s32 $0x1  }
0x2: {  	[smem:$0x3F9D] =	sst lr;
	_ =	strace $0xD0000000  }
0x3: {  	_ = 	snop  }
0x4: {  	_ = 	snop  }
0x5: {  	_ = 	snop  }
0x6: {  	_ = 	snop  }
0x7: {  	_ = 	snop  }
__scs_overlays_trampoline_lowered:
0x8: {  	[smem:$0x3FAC] =	sst s0  }
0x9: {  	[smem:$0x3FAD] =	sst s1  }
0xa: {  	[smem:$0x3FAE] =	sst s2  }
0xb: {  	[smem:$0x3FAF] =	sst s3  }
0xc: {  	[smem:$0x3FB0] =	sst s4  }
0xd: {  	[smem:$0x3FB1] =	sst s5  }
0xe: {  	[smem:$0x3FB2] =	sst s6  }
0xf: {  	[smem:$0x3FB3] =	sst s7  }
0x10: {  	[smem:$0x3FB4] =	sst s8  }
0x11: {  	[smem:$0x3FB5] =	sst s9;
	s0 =	simm.s32 @!p0 $0x0  }
0x12: {  	s1 =	sld [smem:$0x3F9B];
	s0 =	simm.s32 @p0 $0x1  }
0x13: {  	[smem:$0x3FB6] =	sst s0;
	s0 =	simm.s32 @!p1 $0x0  }
0x14: {  	s2 =	sld [smem:$0x3F9A];
	s0 =	simm.s32 @p1 $0x1  }
0x15: {  	[smem:$0x3FB7] =	sst s0;
	s0 =	simm.s32 @!p2 $0x0  }
0x16: {  	s3 =	sld [smem:$0x3FDB];
	s0 =	simm.s32 @p2 $0x1  }
0x17: {  	s4 =	simm.s32 $0x1BF5;
	[smem:$0x3FB9] =	sst s0  }
0x18: {  	s0 =	sld [smem:$0x3F9C];
	_ =	swait.ge [sflag:s4], $0x0  }
0x19: {  	s7 =	sld [smem:$0x3F9D]  }
0x1a: {  	s8 =	sadd.s32 $0xFFFFE003, lr  }
0x1b: {  	s9 =	sadd.s32 $0xFFFFFEF7, lr;
	s5 =	simm.s32 $0xFFFFFFFF;
	p2 =	slt.u32 s8, $0xFFFFF086  }
0x1c: {  	p1 =	slt.u32 s9, $0xF7A;
	s5 =	simm.s32 @!p2 $0x0  }
0x1d: {  	s5 =	simm.s32 @p1 $0x1;
	p0 =	seq.s32 s7, s2  }
0x1e: {  	s7 =	smul.u32 @!p0 $0xF7A, s2;
	p2 =	seq.s32 @!p0 s5, $0x0  }
0x1f: {  	s9 =	smul.u32 $0xF7A, s1;
	s8 =	simm.s32 @!p0 $0x1BF5;
	p2 =	por !p2, p0  }
0x20: {  	[sflag:s8] =	ssyncset.s32 @!p0 $0xFFFFF086;
	s6 =	sadd.s32 @!p0 s3, s7;
	s7 =	simm.s32 @!p0 $0x108  }
0x21: {  	s3 =	sadd.s32 s3, s9;
	s6 =	sadd.s32 @!p0 $0x88, s6;
	s7 =	simm.s32 @p2 $0x1082  }
0x22: {  	[simem:s7], [sflag:s8] =	dma.local @!p0 [hbm:s6], $0xF7A  }
0x23: {  	s9 =	sor.u32 $0xD0000000, s2;
	s6 =	simm.s32 $0x108;
	_ =	swait.ge @!p0 [sflag:s8], $0x0  }
0x24: {  	s3 =	sadd.s32 $0x88, s3;
	s6 =	simm.s32 @!p1 $0x1082;
	[sflag:s4] =	ssyncset.s32 $0xFFFFF086  }
0x25: {  	[simem:s6], [sflag:s4] =	dma.local [hbm:s3], $0xF7A  }
0x26: {  	[smem:$0x3F9D] =	sst s1;
	(tag) =	ssettag s2;
	_ =	strace s9  }
0x27: {  	s1 =	sld [smem:$0x3FAD]  }
0x28: {  	s2 =	sld [smem:$0x3FAE]  }
0x29: {  	s4 =	sld [smem:$0x3FB0]  }
0x2a: {  	p0 =	seq.s32 s5, $0x0;
	s5 =	sld [smem:$0x3FB1]  }
0x2b: {  	s6 =	sld [smem:$0x3FB2]  }
0x2c: {  	s7 =	sld [smem:$0x3FB3]  }
0x2d: {  	s3 =	simm.s32 $0x108;
	s8 =	sld [smem:$0x3FB4]  }
0x2e: {  	s3 =	simm.s32 @!p0 $0x1082;
	s9 =	sld [smem:$0x3FB5]  }
0x2f: {  	lr =	sadd.s32 s0, s3;
	s0 =	sld [smem:$0x3FAC]  }
0x30: {  	s3 =	sld [smem:$0x3FAF]  }
0x31: {  	[smem:$0x3FB8] =	sst s10  }
0x32: {  	s10 =	sld [smem:$0x3FB6];
	_ =	sdelay $0x3  }
0x33: {  	p0 =	seq.s32 s10, $0x1;
	s10 =	sld [smem:$0x3FB8];
	_ =	sdelay $0x3  }
0x34: {  	[smem:$0x3FB8] =	sst s10  }
0x35: {  	s10 =	sld [smem:$0x3FB7];
	_ =	sdelay $0x3  }
0x36: {  	p1 =	seq.s32 s10, $0x1;
	s10 =	sld [smem:$0x3FB8];
	_ =	sdelay $0x3  }
0x37: {  	[smem:$0x3FB8] =	sst s10  }
0x38: {  	s10 =	sld [smem:$0x3FB9]  }
0x39: {  	_ = 	snop;
	(pc) =	sbr.ind lr, $3  }
0x3a: {  	_ = 	snop  }
0x3b: {  	_ = 	snop  }
0x3c: {  	p2 =	seq.s32 s10, $0x1;
	s10 =	sld [smem:$0x3FB8]  }
0x3d: {  	_ =	shalt  }
0x3e: {  	_ =	shalt  }
0x3f: {  	_ =	shalt  }
0x40: {  	_ =	shalt  }
0x41: {  	_ =	shalt  }
0x42: {  	_ =	shalt  }
0x43: {  	_ =	shalt  }
0x44: {  	_ =	shalt  }
0x45: {  	_ =	shalt  }
0x46: {  	_ =	shalt  }
0x47: {  	_ =	shalt  }
0x48: {  	_ =	shalt  }
0x49: {  	_ =	shalt  }
0x4a: {  	_ =	shalt  }
0x4b: {  	_ =	shalt  }
0x4c: {  	_ =	shalt  }
0x4d: {  	_ =	shalt  }
0x4e: {  	_ =	shalt  }
0x4f: {  	_ =	shalt  }
0x50: {  	_ =	shalt  }
0x51: {  	_ =	shalt  }
0x52: {  	_ =	shalt  }
0x53: {  	_ =	shalt  }
0x54: {  	_ =	shalt  }
0x55: {  	_ =	shalt  }
0x56: {  	_ =	shalt  }
0x57: {  	_ =	shalt  }
0x58: {  	_ =	shalt  }
0x59: {  	_ =	shalt  }
0x5a: {  	_ =	shalt  }
0x5b: {  	_ =	shalt  }
0x5c: {  	_ =	shalt  }
0x5d: {  	_ =	shalt  }
0x5e: {  	_ =	shalt  }
0x5f: {  	_ =	shalt  }
0x60: {  	_ =	shalt  }
0x61: {  	_ =	shalt  }
0x62: {  	_ =	shalt  }
0x63: {  	_ =	shalt  }
0x64: {  	_ =	shalt  }
0x65: {  	_ =	shalt  }
0x66: {  	_ =	shalt  }
0x67: {  	_ =	shalt  }
0x68: {  	_ =	shalt  }
0x69: {  	_ =	shalt  }
0x6a: {  	_ =	shalt  }
0x6b: {  	_ =	shalt  }
0x6c: {  	_ =	shalt  }
0x6d: {  	_ =	shalt  }
0x6e: {  	_ =	shalt  }
0x6f: {  	_ =	shalt  }
0x70: {  	_ =	shalt  }
0x71: {  	_ =	shalt  }
0x72: {  	_ =	shalt  }
0x73: {  	_ =	shalt  }
0x74: {  	_ =	shalt  }
0x75: {  	_ =	shalt  }
0x76: {  	_ =	shalt  }
0x77: {  	_ =	shalt  }
0x78: {  	_ =	shalt  }
0x79: {  	_ =	shalt  }
0x7a: {  	_ =	shalt  }
0x7b: {  	_ =	shalt  }
0x7c: {  	_ =	shalt  }
0x7d: {  	_ =	shalt  }
0x7e: {  	_ =	shalt  }
0x7f: {  	_ =	shalt  }
0x80: {  	_ =	shalt  }
0x81: {  	_ =	shalt  }
0x82: {  	_ =	shalt  }
0x83: {  	_ =	shalt  }
0x84: {  	_ =	shalt  }
0x85: {  	_ =	shalt  }
0x86: {  	_ =	shalt  }
0x87: {  	_ =	shalt  }
.Lfunc_end0:
.L_simem_size_0:
called_computation_lowered:
.L_overlay_start_0:
0x88: {  	s2 =	sld [smem:$0x3FD9]  }
0x89: {  	s3 =	sld [smem:$0x3FFE];
	_ =	sdelay $0x1  }
0x8a: {  	s1 =	srdreg.scid  }
0x8b: {  	s0 =	sand.u32 $0x1, s1  }
0x8c: {  	s14 =	sshll.u32 s0, $0xA;
	s2 =	sadd.s32 s3, s2  }
0x8d: {  	s2 =	sadd.s32 s2, s14  }
0x8e: {  	[smem:$0x3FC4] =	sst s2  }
0x8f: {  	_ = 	snop  }
0x90: {  	s2 =	sld [smem:$0x3FD0];
	_ =	sdelay $0x2  }
0x91: {  	s4 =	simm.s32 $0xA;
	s5 =	simm.s32 $0x10;
	s15 =	sld [smem:$0x3FC6]  }
0x92: {  	[smem:s5], [sflag:s4] =	dma.local [hbm:s2], $0x1  }
0x93: {  	_ =	swait.eq [sflag:s4], $0x1  }
0x94: {  	[sflag:s4] =	ssyncset.done $0x0  }
0x95: {  	[sflag:s4] =	ssyncadd.s32 $0xFFFFFFFF  }
0x96: {  	s16 =	sld [smem:$0x12];
	(tm) =	ssettm $0x1  }
0x97: {  	s17 =	sld [smem:$0x3FFB];
	_ =	sdelay $0x3  }
0x98: {  	_ =	strace s17  }
0x99: {  	s4 =	sld [smem:$0x3FFC];
	_ =	sdelay $0x3  }
0x9a: {  	_ =	strace s4  }
0x9b: {  	s4 =	sld [smem:$0x3FFD];
	_ =	sdelay $0x3  }
0x9c: {  	_ =	strace s4  }
0x9d: {  	_ =	strace $0x8FFFFFFF  }
0x9e: {  	s18 =	sld [smem:$0x3FDB];
	_ =	sdelay $0x1  }
0x9f: {  	s19 =	simm.s32 $_scs_section_size  }
0xa0: {  	s6 =	simm.s32 $_size__tile_overlayer_lowered;
	s7 =	simm.s32 $_tile_overlayer_lowered  }
0xa1: {  	s22 =	simm.s32 $0x1BFF;
	s21 =	sshll.u32 s7, $0x1;
	s4 =	sadd.s32 s19, s18  }
0xa2: {  	s8 =	simm.s32 $0x0;
	s20 =	sshll.u32 s6, $0x1;
	s6 =	sadd.s32 s21, s4  }
0xa3: {  	[timem:s8], [sflag:s22] =	dma.local [hbm:s6], s20  }
0xa4: {  	_ =	swait.ge [sflag:s22], s20  }
0xa5: {  	s5 =	ssub.s32 $0x0, s20;
	[sflag:s22] =	ssyncset.done $0x0  }
0xa6: {  	[sflag:s22] =	ssyncadd.s32 s5;
	_ =	sdelay $0x1  }
0xa7: {  	s23 =	simm.s32 $0x1B8B  }
0xa8: {  	_ =	swait.ge [sflag:s23], $0x1  }
0xa9: {  	[sflag:s23] =	ssyncset.done $0x0  }
0xaa: {  	s25 =	simm.s32 $0x1B8E;
	s24 =	sld [smem:$0x3FFE];
	[sflag:s23] =	ssyncadd.s32 $0xFFFFFFFF  }
0xab: {  	s26 =	simm.s32 $execute0_lowered;
	[smem:$0x3FD2] =	sst s25  }
0xac: {  	s6 =	sshll.u32 s26, $0x1;
	_ =	strace $0x80000046;
	[dreg:$0x1] =	wrdreg $0xFFFFFFFF  }
0xad: {  	s28 =	simm.s32 $_size_execute0_lowered;
	s4 =	sadd.s32 s4, s6;
	[dreg:$0x0] =	wrdreg $0x0  }
0xae: {  	s6 =	sshll.u32 s28, $0x1;
	[dreg:$0x2] =	wrdreg s4  }
0xaf: {  	[dreg:$0x3] =	wrdreg s6  }
0xb0: {  	[dreg:$0x4] =	wrdreg $0xC0  }
0xb1: {  	_ =	task [dreg:s8], $0x5FFFF  }
0xb2: {  	[dreg:$0x1] =	wrdreg $0xFFFFFFFF  }
0xb3: {  	[dreg:$0x0] =	wrdreg $0x60  }
0xb4: {  	[dreg:$0x2] =	wrdreg s24  }
0xb5: {  	[dreg:$0x3] =	wrdreg s15  }
0xb6: {  	[dreg:$0x4] =	wrdreg s16  }
0xb7: {  	[dreg:$0x5] =	wrdreg $0x9  }
0xb8: {  	_ =	task.clear_ibuf [dreg:s8], $0x6FFFF;
	_ =	strace $0x90000046  }
0xb9: {  	s29 =	simm.s32 $0x9;
	_ =	strace $0x80000048  }
0xba: {  	_ =	swait.ge [sflag:s29], $0x1  }
0xbb: {  	[sflag:s29] =	ssyncadd.s32 $0xFFFFFFFF  }
0xbc: {  	_ =	strace $0x90000048  }
0xbd: {  	_ =	sfence  }
0xbe: {  	s30 =	sld [smem:$0x0];
	_ =	sdelay $0x2  }
0xbf: {  	s31 =	sshll.u32 s1, $0xD;
	s1 =	sshrl.u32 s1, $0x2  }
0xc0: {  	s3 =	sand.u32 $0x4000, s31;
	s1 =	sadd.s32 s1, s30  }
0xc1: {  	s0 =	sor.u32 s3, s0;
	s1 =	sshll.u32 s1, $0x11  }
0xc2: {  	s0 =	sor.u32 s1, s0  }
0xc3: {  	s0 =	sadd.s32 $0x8F2B, s0  }
0xc4: {  	[sflag:s0] =	ssyncadd.remote.s32 $0x1  }
0xc5: {  	_ =	sfence.sel $0xFFFF  }
0xc6: {  	[dreg:$0x0] =	wrdreg $0xFFFFFFFF;
	(pc) =	sbr.abs _section_cstart, $3  }
0xc7: {  	[dreg:$0x1] =	wrdreg $0xFFFFFFFF  }
0xc8: {  	_ =	task.clear_ibuf [dreg:s8], $0x2FFFF;
	_ =	strace $0x9FFFFFFF  }
0xc9: {  	(tm) =	ssettm $0x7FFFFFFF  }
tec
execute0_lowered:
.L_overlay_start_1:
0x0: {  	(tag) =	ssettag $0x1  }
0x1: {  	s1 =	stileid.u32  }
0x2: {  	p0 =	sgt.u32 s1, $0x3  }
.Ltmp0:
0x3: {  	s4 =	rddreg [dreg:$0x0];
	(pc) =	sbr.rel @p0 .LBB2_4-.Ltmp0, $4  }
0x4: {  	s2 =	rddreg [dreg:$0x1]  }
0x5: {  	s9 =	rddreg [dreg:$0x2];
	s3 =	simm.s32 $0x0  }
0x6: {  	[smem:$0x7FF] =	sst s3  }
0x7: {  	s0 =	rddreg [dreg:$0x3];
	_ =	strace $0x80000047  }
0x8: {  	s5 =	srdreg.scid  }
0x9: {  	s30 =	sshll.u32 s1, $0x1;
	s6 =	sand.u32 $0x1, s5  }
0xa: {  	s10 =	sor.u32 s6, s30  }
0xb: {  	s5 =	smul.u32 $0x5, s10  }
0xc: {  	s4 =	sadd.s32 $0x800, s4  }
0xd: {  	s11 =	ssub.s32 $0x2, s6;
	s5 =	sadd.s32 s4, s5;
	s4 =	simm.s32 $0x2  }
0xe: {  	[tilespmem:s3], [sflag:$0x2] =	stream.linear.gather [hbm4b:s5+s3], $0x28, $0x38;
	[tilespmem:$0x1480] =	vst v63  }
0xf: {  	s7 =	simm.s32 $0x80;
	s12 =	sshrl.u32 s11, $0x1;
	_ =	swait.ge [sflag:s4], $0x28  }
0x10: {  	s8 =	simm.s32 $0x1;
	s11 =	ssub.s32 s11, s12;
	[sflag:s4] =	ssyncset.done $0x0  }
0x11: {  	s6 =	simm.s32 $0x28;
	s31 =	smax.u32 s11, $0x1;
	[sflag:s4] =	ssyncadd.s32 $0xFFFFFFD8  }
0x12: {  	[tilespmem:s7], [sflag:$0x1] =	stream.indirect.gather [hbm4b:s2+s6], $0x80, s3, s6, $0xb8;
	[tilespmem:$0x1480] =	vst v63  }
0x13: {  	s10 =	smul.u32 $0x280, s10;
	p0 =	sne.s32 s31, $0x1;
	_ =	swait.ge [sflag:s8], $0x1400  }
.Ltmp1:
0x14: {  	[sflag:s8] =	ssyncset.done $0x0;
	(pc) =	sbr.rel @!p0 .LBB2_3-.Ltmp1, $4  }
0x15: {  	s9 =	sadd.s32 s9, s10;
	[sflag:s8] =	ssyncadd.s32 $0xFFFFEC00  }
0x16: {  	[hbm4b:s9+s3] =	stream.linear.scatter [tilespmem:s7], [sflag:$0x2], $0x1400, $0x38;
	[tilespmem:$0x1480] =	vst v63  }
0x17: {  	_ =	swait.ge [sflag:s4], $0x1400  }
0x18: {  	s10 =	sadd.s32 $0xFFFFFFFF, s31;
	[sflag:s4] =	ssyncset.done $0x0  }
.LBB2_2:
0x19: {  	p0 =	sne.s32 s10, $0x1;
	s10 =	sadd.s32 $0xFFFFFFFF, s10;
	[sflag:s4] =	ssyncadd.s32 $0xFFFFEC00  }
0x1a: {  	[tilespmem:s3], [sflag:$0x2] =	stream.linear.gather [hbm4b:s5+s3], $0x28, $0x38;
	[tilespmem:$0x1480] =	vst v63  }
0x1b: {  	_ =	swait.ge [sflag:s4], $0x28  }
0x1c: {  	[sflag:s4] =	ssyncset.done $0x0  }
0x1d: {  	[sflag:s4] =	ssyncadd.s32 $0xFFFFFFD8  }
0x1e: {  	[tilespmem:s7], [sflag:$0x1] =	stream.indirect.gather [hbm4b:s2+s6], $0x80, s3, s6, $0xb8;
	[tilespmem:$0x1480] =	vst v63  }
0x1f: {  	_ =	swait.ge [sflag:s8], $0x1400  }
.Ltmp2:
0x20: {  	[sflag:s8] =	ssyncset.done $0x0;
	(pc) =	sbr.rel @p0 .LBB2_2-.Ltmp2, $4  }
0x21: {  	[sflag:s8] =	ssyncadd.s32 $0xFFFFEC00  }
0x22: {  	[hbm4b:s9+s3] =	stream.linear.scatter [tilespmem:s7], [sflag:$0x2], $0x1400, $0x38;
	[tilespmem:$0x1480] =	vst v63  }
0x23: {  	_ =	swait.ge [sflag:s4], $0x1400  }
0x24: {  	[sflag:s4] =	ssyncset.done $0x0  }
.LBB2_3:
0x25: {  	[sflag:s4] =	ssyncadd.s32 $0xFFFFEC00  }
.LBB2_4:
0x26: {  	_ =	sfence.sel $0x180000  }
0x27: {  	[bflag:$0x0] =	sbarrier.arrive $0xFFFF  }
0x28: {  	p0 =	sne.s32 s1, $0x0;
	_ =	strace $0x90000047  }
0x29: {  	s0 =	sadd.s32 @!p0 $0x100000, s0;
	[bflag:$0x2] =	sbarrier.arrive $0xFFFF  }
0x2a: {  	[sflag:s0] =	ssyncadd.tile.s32 @!p0 $0x1;
	_ =	shalt  }
.Lfunc_end2:
_tile_overlayer_lowered:
.L_overlay_start_2:
0x2b: {  	(tag) =	ssettag $0x2  }
0x2c: {  	s0 =	rddreg [dreg:$0x0];
	s2 =	stileid.u32  }
0x2d: {  	s1 =	rddreg [dreg:$0x1];
	p0 =	sne.s32 s2, $0x0  }
0x2e: {  	s3 =	rddreg [dreg:$0x2];
	[bflag:$0x3] =	sbarrier.arrive $0xFFFF;
	s2 =	simm.s32 @!p0 $0x1C02  }
0x2f: {  	[timem:s3], [sflag:s2] =	dma.local @!p0 [hbm:s0], s1  }
0x30: {  	s0 =	simm.s32 @!p0 $0x2  }
0x31: {  	_ =	swait.ge @!p0 [sflag:s0], s1  }
0x32: {  	s1 =	ssub.s32 @!p0 $0x0, s1;
	[sflag:s0] =	ssyncset.done @!p0 $0x0  }
0x33: {  	[sflag:s0] =	ssyncadd.s32 @!p0 s1  }
0x34: {  	[bflag:$0x3] =	sbarrier.arrive $0xFFFF  }
0x35: {  	_ =	shalt  }

</sc_bundles>
